<compile_context>
chip_gen: v7x
topology: tpu7x:2x2x1
jax: 0.10.2.dev20260603
libtpu: 0.0.44.dev20260713+nightly
codegen_flags: <defaults>
</compile_context>

<pallas_src>
import functools

import jax
import jax.numpy as jnp
from jax.experimental import pallas as pl
from jax.experimental.pallas import tpu as pltpu

_EPS = 1e-5


def _square_distance(src, dst):
    return (jnp.sum(src ** 2, -1)[:, :, None]
            + jnp.sum(dst ** 2, -1)[:, None, :]
            - 2.0 * jnp.einsum('bnc,bmc->bnm', src, dst))


def _index_points(points, idx):
    return jax.vmap(lambda p, i: p[i])(points, idx)



def _fps_body(xyz_ref, out_ref, *, npoint, n, nb):
    nl = n // 8
    x = xyz_ref[:, 0:8, :]
    y = xyz_ref[:, 8:16, :]
    z = xyz_ref[:, 16:24, :]
    ids = (jax.lax.broadcasted_iota(jnp.int32, (nb, 8, nl), 1) * nl
           + jax.lax.broadcasted_iota(jnp.int32, (nb, 8, nl), 2))

    def body(i, state):
        distance, farthest = state
        mask = ids == farthest
        cx = jnp.sum(jnp.where(mask, x, 0.0), axis=(1, 2), keepdims=True)
        cy = jnp.sum(jnp.where(mask, y, 0.0), axis=(1, 2), keepdims=True)
        cz = jnp.sum(jnp.where(mask, z, 0.0), axis=(1, 2), keepdims=True)
        out_ref[:, pl.ds(i, 1), :] = jnp.concatenate(
            [cx[:, 0, :], cy[:, 0, :], cz[:, 0, :]], axis=1)[:, None, :]
        dx = x - cx
        dy = y - cy
        dz = z - cz
        d = (dx * dx + dy * dy) + dz * dz
        distance = jnp.minimum(distance, d)
        m = jnp.max(distance, axis=(1, 2), keepdims=True)
        farthest = jnp.min(jnp.where(distance == m, ids, n), axis=(1, 2),
                           keepdims=True)
        return distance, farthest

    distance = jnp.full((nb, 8, nl), 1e10, dtype=jnp.float32)
    farthest = jnp.zeros((nb, 1, 1), dtype=jnp.int32)
    jax.lax.fori_loop(0, npoint, body, (distance, farthest))


def _fps_pallas(xyz_t, npoint):
    B, N, _ = xyz_t.shape
    nl = N // 8
    packed = jnp.concatenate(
        [xyz_t[..., 0].reshape(B, 8, nl),
         xyz_t[..., 1].reshape(B, 8, nl),
         xyz_t[..., 2].reshape(B, 8, nl)], axis=1)
    return pl.pallas_call(
        functools.partial(_fps_body, npoint=npoint, n=N, nb=B),
        out_shape=jax.ShapeDtypeStruct((B, npoint, 3), jnp.float32),
    )(packed)



def _query_ball_point(radius, nsample, xyz, new_xyz):
    xyz = jax.lax.stop_gradient(xyz)
    new_xyz = jax.lax.stop_gradient(new_xyz)
    B, N, _ = xyz.shape
    S = new_xyz.shape[1]
    sqrdists = _square_distance(new_xyz, xyz)
    group_idx = jnp.broadcast_to(jnp.arange(N, dtype=jnp.int32), (B, S, N))
    group_idx = jnp.where(sqrdists > radius ** 2, N, group_idx)
    group_idx = jnp.sort(group_idx, axis=-1)[:, :, :nsample]
    group_first = group_idx[:, :, 0:1]
    group_first = jnp.where(group_first == N, 0, group_first)
    group_idx = jnp.where(group_idx == N, group_first, group_idx)
    return group_idx


def _knn_point(nsample, query, data):
    sq = _square_distance(jax.lax.stop_gradient(query),
                          jax.lax.stop_gradient(data))
    _, idx = jax.lax.top_k(-sq, nsample)
    return idx


def _conv_bn_relu(x, layer):
    if x.ndim == 4:
        x = jnp.einsum('oc,bcns->bons', layer['w'], x)
        axes = (0, 2, 3)
        shape = (1, -1, 1, 1)
    else:
        x = jnp.einsum('oc,bcn->bon', layer['w'], x)
        axes = (0, 2)
        shape = (1, -1, 1)
    mean = jnp.mean(x, axis=axes, keepdims=True)
    var = jnp.var(x, axis=axes, keepdims=True)
    x = (x - mean) / jnp.sqrt(var + _EPS)
    x = x * layer['g'].reshape(shape) + layer['b'].reshape(shape)
    return jax.nn.relu(x)


def _set_abstraction(xyz, points, npoint, radius, nsample, layers):
    xyz_t = jnp.transpose(xyz, (0, 2, 1))
    new_xyz_t = _fps_pallas(jax.lax.stop_gradient(xyz_t), npoint)
    idx = _query_ball_point(radius, nsample, xyz_t, new_xyz_t)
    grouped_xyz = _index_points(xyz_t, idx) - new_xyz_t[:, :, None, :]
    points_t = jnp.transpose(points, (0, 2, 1))
    grouped_points = _index_points(points_t, idx)
    new_points = jnp.concatenate([grouped_xyz, grouped_points], axis=-1)
    new_points = jnp.transpose(new_points, (0, 3, 1, 2))
    for layer in layers:
        new_points = _conv_bn_relu(new_points, layer)
    new_points = jnp.max(new_points, axis=-1)
    return jnp.transpose(new_xyz_t, (0, 2, 1)), new_points


def _flow_embedding(pos1, pos2, feat1, feat2, nsample, layers):
    pos1_t = jnp.transpose(pos1, (0, 2, 1))
    pos2_t = jnp.transpose(pos2, (0, 2, 1))
    idx = _knn_point(nsample, pos1_t, pos2_t)
    pos2_grouped = _index_points(pos2_t, idx)
    pos_diff = pos2_grouped - pos1_t[:, :, None, :]
    feat2_grouped = _index_points(jnp.transpose(feat2, (0, 2, 1)), idx)
    feat1_exp = jnp.broadcast_to(
        jnp.transpose(feat1, (0, 2, 1))[:, :, None, :], feat2_grouped.shape)
    feat_new = jnp.concatenate([pos_diff, feat2_grouped, feat1_exp], axis=-1)
    feat_new = jnp.transpose(feat_new, (0, 3, 1, 2))
    for layer in layers:
        feat_new = _conv_bn_relu(feat_new, layer)
    feat_new = jnp.max(feat_new, axis=-1)
    return pos1, feat_new


def _set_upconv(pos1, pos2, feat1, feat2, nsample, mlp1, mlp2):
    pos1_t = jnp.transpose(pos1, (0, 2, 1))
    pos2_t = jnp.transpose(pos2, (0, 2, 1))
    idx = _knn_point(nsample, pos1_t, pos2_t)
    pos2_grouped = _index_points(pos2_t, idx)
    pos_diff = pos2_grouped - pos1_t[:, :, None, :]
    feat2_grouped = _index_points(jnp.transpose(feat2, (0, 2, 1)), idx)
    feat_new = jnp.concatenate([feat2_grouped, pos_diff], axis=-1)
    feat_new = jnp.transpose(feat_new, (0, 3, 1, 2))
    for layer in mlp1:
        feat_new = _conv_bn_relu(feat_new, layer)
    feat_new = jnp.max(feat_new, axis=-1)
    if feat1 is not None:
        feat_new = jnp.concatenate([feat_new, feat1], axis=1)
    for layer in mlp2:
        feat_new = _conv_bn_relu(feat_new, layer)
    return feat_new


def _feature_propagation(pos1, pos2, feat1, feat2, layers):
    pos1_t = jnp.transpose(pos1, (0, 2, 1))
    pos2_t = jnp.transpose(pos2, (0, 2, 1))
    sqrdists = _square_distance(pos1_t, pos2_t)
    neg_dists, idx = jax.lax.top_k(-sqrdists, 3)
    dists = jnp.maximum(-neg_dists, 1e-10)
    idx = jax.lax.stop_gradient(idx)
    weight = 1.0 / dists
    weight = weight / jnp.sum(weight, axis=-1, keepdims=True)
    grouped = _index_points(jnp.transpose(feat2, (0, 2, 1)), idx)
    interpolated = jnp.sum(grouped * weight[:, :, :, None], axis=2)
    interpolated = jnp.transpose(interpolated, (0, 2, 1))
    feat_new = jnp.concatenate([interpolated, feat1], axis=1)
    for layer in layers:
        feat_new = _conv_bn_relu(feat_new, layer)
    return feat_new



def _head_kernel(x_ref, w1_ref, g_ref, b_ref, w2_ref, b2_ref, out_ref):
    x = x_ref[...]
    w1 = w1_ref[...]
    y = jnp.einsum('oc,bcn->bon', w1, x,
                   preferred_element_type=jnp.float32)
    mean = jnp.mean(y, axis=(0, 2), keepdims=True)
    var = jnp.var(y, axis=(0, 2), keepdims=True)
    y = (y - mean) / jnp.sqrt(var + _EPS)
    y = y * g_ref[...][None, :, None] + b_ref[...][None, :, None]
    y = jnp.maximum(y, 0.0)
    out = jnp.einsum('oc,bcn->bon', w2_ref[...], y,
                     preferred_element_type=jnp.float32)
    out_ref[...] = out + b2_ref[...][None, :, None]


def _head(x, params):
    B, C, N = x.shape
    out = pl.pallas_call(
        _head_kernel,
        out_shape=jax.ShapeDtypeStruct((B, 3, N), jnp.float32),
    )(x, params['conv1_w'], params['bn1_g'], params['bn1_b'],
      params['conv2_w'], params['conv2_b'])
    return out



def kernel(points1, weights1, points2, weights2, params):
    r = 0.001
    pc1 = jnp.transpose(points1, (0, 2, 1))
    pc2 = jnp.transpose(points2, (0, 2, 1))
    f1 = jnp.transpose(weights1, (0, 2, 1))
    f2 = jnp.transpose(weights2, (0, 2, 1))
    l1_pc1, l1_f1 = _set_abstraction(pc1, f1, 4096, 20 * r, 16, params['sa1'])
    l2_pc1, l2_f1 = _set_abstraction(l1_pc1, l1_f1, 1024, 40 * r, 16, params['sa2'])
    l1_pc2, l1_f2 = _set_abstraction(pc2, f2, 4096, 20 * r, 16, params['sa1'])
    l2_pc2, l2_f2 = _set_abstraction(l1_pc2, l1_f2, 1024, 40 * r, 16, params['sa2'])
    _, l2_f1_new = _flow_embedding(l2_pc1, l2_pc2, l2_f1, l2_f2, 64, params['fe'])
    l3_pc1, l3_f1 = _set_abstraction(l2_pc1, l2_f1_new, 256, 80 * r, 8, params['sa3'])
    l4_pc1, l4_f1 = _set_abstraction(l3_pc1, l3_f1, 64, 160 * r, 8, params['sa4'])
    l3_fnew1 = _set_upconv(l3_pc1, l4_pc1, l3_f1, l4_f1, 8,
                           params['su1_mlp1'], params['su1_mlp2'])
    l2_fnew1 = _set_upconv(l2_pc1, l3_pc1,
                           jnp.concatenate([l2_f1, l2_f1_new], axis=1),
                           l3_fnew1, 8, params['su2_mlp1'], params['su2_mlp2'])
    l1_fnew1 = _set_upconv(l1_pc1, l2_pc1, l1_f1, l2_fnew1, 8,
                           params['su3_mlp1'], params['su3_mlp2'])
    l0_fnew1 = _feature_propagation(pc1, l1_pc1, f1, l1_fnew1, params['fp'])
    out = _head(l0_fnew1, params)
    return jnp.transpose(out, (0, 2, 1))

# --- scband reference (transcript-rebuilt; emitter-appended) ---
"""Pipeline reference for scband-deep-reg-parm-25701084299685 (READ-ONLY COPY).

The authoritative reference and input builder live on the scoring server;
editing this copy changes nothing except your own understanding.
"""

import jax, jax.numpy as jnp
import numpy as np

EPS = 1e-5

def square_distance(src, dst):
    return jnp.sum(src ** 2, -1)[:, :, None] + jnp.sum(dst ** 2, -1)[:, None, :] - 2.0 * jnp.einsum('bnc,bmc->bnm', src, dst)

def index_points(points, idx):
    return jax.vmap(lambda p, i: p[i])(points, idx)

def farthest_point_sample(xyz, npoint):
    xyz = jax.lax.stop_gradient(xyz)
    B, N, _ = xyz.shape
    def body(i, state):
        centroids, distance, farthest = state
        centroids = centroids.at[:, i].set(farthest)
        centroid = jnp.take_along_axis(xyz, jnp.broadcast_to(farthest[:, None, None], (B, 1, 3)), axis=1)
        dist = jnp.sum((xyz - centroid) ** 2, -1)
        distance = jnp.minimum(distance, dist)
        farthest = jnp.argmax(distance, axis=-1).astype(jnp.int32)
        return centroids, distance, farthest
    centroids = jnp.zeros((B, npoint), dtype=jnp.int32)
    distance = jnp.full((B, N), 1e10, dtype=jnp.float32)
    farthest = jnp.zeros((B,), dtype=jnp.int32)
    centroids, _, _ = jax.lax.fori_loop(0, npoint, body, (centroids, distance, farthest))
    return centroids

def query_ball_point(radius, nsample, xyz, new_xyz):
    xyz = jax.lax.stop_gradient(xyz)
    new_xyz = jax.lax.stop_gradient(new_xyz)
    B, N, _ = xyz.shape
    S = new_xyz.shape[1]
    sqrdists = square_distance(new_xyz, xyz)
    group_idx = jnp.broadcast_to(jnp.arange(N, dtype=jnp.int32), (B, S, N))
    group_idx = jnp.where(sqrdists > radius ** 2, N, group_idx)
    group_idx = jnp.sort(group_idx, axis=-1)[:, :, :nsample]
    group_first = group_idx[:, :, 0:1]
    group_first = jnp.where(group_first == N, 0, group_first)
    group_idx = jnp.where(group_idx == N, group_first, group_idx)
    return group_idx

def knn_point(nsample, query, data):
    sq = square_distance(jax.lax.stop_gradient(query), jax.lax.stop_gradient(data))
    _, idx = jax.lax.top_k(-sq, nsample)
    return idx

def conv_bn_relu(x, layer):
    if x.ndim == 4:
        x = jnp.einsum('oc,bcns->bons', layer['w'], x)
        axes = (0, 2, 3)
        shape = (1, -1, 1, 1)
    else:
        x = jnp.einsum('oc,bcn->bon', layer['w'], x)
        axes = (0, 2)
        shape = (1, -1, 1)
    mean = jnp.mean(x, axis=axes, keepdims=True)
    var = jnp.var(x, axis=axes, keepdims=True)
    x = (x - mean) / jnp.sqrt(var + EPS)
    x = x * layer['g'].reshape(shape) + layer['b'].reshape(shape)
    return jax.nn.relu(x)

def set_abstraction(xyz, points, npoint, radius, nsample, layers):
    xyz_t = jnp.transpose(xyz, (0, 2, 1))
    fps_idx = farthest_point_sample(xyz_t, npoint)
    new_xyz_t = index_points(xyz_t, fps_idx)
    idx = query_ball_point(radius, nsample, xyz_t, new_xyz_t)
    grouped_xyz = index_points(xyz_t, idx) - new_xyz_t[:, :, None, :]
    points_t = jnp.transpose(points, (0, 2, 1))
    grouped_points = index_points(points_t, idx)
    new_points = jnp.concatenate([grouped_xyz, grouped_points], axis=-1)
    new_points = jnp.transpose(new_points, (0, 3, 1, 2))
    for layer in layers:
        new_points = conv_bn_relu(new_points, layer)
    new_points = jnp.max(new_points, axis=-1)
    return jnp.transpose(new_xyz_t, (0, 2, 1)), new_points

def flow_embedding(pos1, pos2, feat1, feat2, nsample, layers):
    pos1_t = jnp.transpose(pos1, (0, 2, 1))
    pos2_t = jnp.transpose(pos2, (0, 2, 1))
    idx = knn_point(nsample, pos1_t, pos2_t)
    pos2_grouped = index_points(pos2_t, idx)
    pos_diff = pos2_grouped - pos1_t[:, :, None, :]
    feat2_grouped = index_points(jnp.transpose(feat2, (0, 2, 1)), idx)
    feat1_exp = jnp.broadcast_to(jnp.transpose(feat1, (0, 2, 1))[:, :, None, :], feat2_grouped.shape)
    feat_new = jnp.concatenate([pos_diff, feat2_grouped, feat1_exp], axis=-1)
    feat_new = jnp.transpose(feat_new, (0, 3, 1, 2))
    for layer in layers:
        feat_new = conv_bn_relu(feat_new, layer)
    feat_new = jnp.max(feat_new, axis=-1)
    return pos1, feat_new

def set_upconv(pos1, pos2, feat1, feat2, nsample, mlp1, mlp2):
    pos1_t = jnp.transpose(pos1, (0, 2, 1))
    pos2_t = jnp.transpose(pos2, (0, 2, 1))
    idx = knn_point(nsample, pos1_t, pos2_t)
    pos2_grouped = index_points(pos2_t, idx)
    pos_diff = pos2_grouped - pos1_t[:, :, None, :]
    feat2_grouped = index_points(jnp.transpose(feat2, (0, 2, 1)), idx)
    feat_new = jnp.concatenate([feat2_grouped, pos_diff], axis=-1)
    feat_new = jnp.transpose(feat_new, (0, 3, 1, 2))
    for layer in mlp1:
        feat_new = conv_bn_relu(feat_new, layer)
    feat_new = jnp.max(feat_new, axis=-1)
    if feat1 is not None:
        feat_new = jnp.concatenate([feat_new, feat1], axis=1)
    for layer in mlp2:
        feat_new = conv_bn_relu(feat_new, layer)
    return feat_new

def feature_propagation(pos1, pos2, feat1, feat2, layers):
    pos1_t = jnp.transpose(pos1, (0, 2, 1))
    pos2_t = jnp.transpose(pos2, (0, 2, 1))
    sqrdists = square_distance(pos1_t, pos2_t)
    neg_dists, idx = jax.lax.top_k(-sqrdists, 3)
    dists = jnp.maximum(-neg_dists, 1e-10)
    idx = jax.lax.stop_gradient(idx)
    weight = 1.0 / dists
    weight = weight / jnp.sum(weight, axis=-1, keepdims=True)
    grouped = index_points(jnp.transpose(feat2, (0, 2, 1)), idx)
    interpolated = jnp.sum(grouped * weight[:, :, :, None], axis=2)
    interpolated = jnp.transpose(interpolated, (0, 2, 1))
    feat_new = jnp.concatenate([interpolated, feat1], axis=1)
    for layer in layers:
        feat_new = conv_bn_relu(feat_new, layer)
    return feat_new

def forward(points1, weights1, points2, weights2, params):
    r = 0.001
    pc1 = jnp.transpose(points1, (0, 2, 1))
    pc2 = jnp.transpose(points2, (0, 2, 1))
    f1 = jnp.transpose(weights1, (0, 2, 1))
    f2 = jnp.transpose(weights2, (0, 2, 1))
    l1_pc1, l1_f1 = set_abstraction(pc1, f1, 4096, 20 * r, 16, params['sa1'])
    l2_pc1, l2_f1 = set_abstraction(l1_pc1, l1_f1, 1024, 40 * r, 16, params['sa2'])
    l1_pc2, l1_f2 = set_abstraction(pc2, f2, 4096, 20 * r, 16, params['sa1'])
    l2_pc2, l2_f2 = set_abstraction(l1_pc2, l1_f2, 1024, 40 * r, 16, params['sa2'])
    _, l2_f1_new = flow_embedding(l2_pc1, l2_pc2, l2_f1, l2_f2, 64, params['fe'])
    l3_pc1, l3_f1 = set_abstraction(l2_pc1, l2_f1_new, 256, 80 * r, 8, params['sa3'])
    l4_pc1, l4_f1 = set_abstraction(l3_pc1, l3_f1, 64, 160 * r, 8, params['sa4'])
    l3_fnew1 = set_upconv(l3_pc1, l4_pc1, l3_f1, l4_f1, 8, params['su1_mlp1'], params['su1_mlp2'])
    l2_fnew1 = set_upconv(l2_pc1, l3_pc1, jnp.concatenate([l2_f1, l2_f1_new], axis=1), l3_fnew1, 8, params['su2_mlp1'], params['su2_mlp2'])
    l1_fnew1 = set_upconv(l1_pc1, l2_pc1, l1_f1, l2_fnew1, 8, params['su3_mlp1'], params['su3_mlp2'])
    l0_fnew1 = feature_propagation(pc1, l1_pc1, f1, l1_fnew1, params['fp'])
    x = jnp.einsum('oc,bcn->bon', params['conv1_w'], l0_fnew1)
    mean = jnp.mean(x, axis=(0, 2), keepdims=True)
    var = jnp.var(x, axis=(0, 2), keepdims=True)
    x = (x - mean) / jnp.sqrt(var + EPS)
    x = x * params['bn1_g'][None, :, None] + params['bn1_b'][None, :, None]
    x = jax.nn.relu(x)
    out = jnp.einsum('oc,bcn->bon', params['conv2_w'], x) + params['conv2_b'][None, :, None]
    return jnp.transpose(out, (0, 2, 1))

def make_mlp(key, channels):
    layers = []
    for i in range(len(channels) - 1):
        k = jax.random.fold_in(key, i)
        layers.append({
            'w': 0.1 * jax.random.normal(k, (channels[i + 1], channels[i]), dtype=jnp.float32),
            'g': jnp.ones((channels[i + 1],), dtype=jnp.float32),
            'b': jnp.zeros((channels[i + 1],), dtype=jnp.float32),
        })
    return layers

def setup_inputs(seed: int = 0) -> dict:
    key = jax.random.key(seed)
    ks = jax.random.split(key, 20)
    B, N = 2, 8192
    points1 = jax.random.uniform(ks[0], (B, N, 3), dtype=jnp.float32)
    points2 = jax.random.uniform(ks[1], (B, N, 3), dtype=jnp.float32)
    weights1 = jax.random.uniform(ks[2], (B, N, 1), dtype=jnp.float32)
    weights2 = jax.random.uniform(ks[3], (B, N, 1), dtype=jnp.float32)
    params = {
        'sa1': make_mlp(ks[4], [4, 16, 16, 32]),
        'sa2': make_mlp(ks[5], [35, 32, 32, 64]),
        'sa3': make_mlp(ks[6], [67, 64, 64, 128]),
        'sa4': make_mlp(ks[7], [131, 128, 128, 256]),
        'fe': make_mlp(ks[8], [131, 64, 64, 64]),
        'su1_mlp1': [],
        'su1_mlp2': make_mlp(ks[9], [387, 128, 128]),
        'su2_mlp1': make_mlp(ks[10], [131, 64, 64, 128]),
        'su2_mlp2': make_mlp(ks[11], [256, 128]),
        'su3_mlp1': make_mlp(ks[12], [131, 64, 64, 128]),
        'su3_mlp2': make_mlp(ks[13], [160, 128]),
        'fp': make_mlp(ks[14], [129, 128, 128]),
        'conv1_w': 0.1 * jax.random.normal(ks[15], (64, 128), dtype=jnp.float32),
        'bn1_g': jnp.ones((64,), dtype=jnp.float32),
        'bn1_b': jnp.zeros((64,), dtype=jnp.float32),
        'conv2_w': 0.1 * jax.random.normal(ks[16], (3, 64), dtype=jnp.float32),
        'conv2_b': jnp.zeros((3,), dtype=jnp.float32),
    }
    return {'points1': points1, 'weights1': weights1, 'points2': points2, 'weights2': weights2, 'params': params}

def reference(points1, weights1, points2, weights2, params):
    return forward(points1, weights1, points2, weights2, params)

if __name__ == "__main__":
    import jax
    _d = setup_inputs()
    print(jax.jit(kernel)(*tuple(_d.values())))

</pallas_src>

<mosaic_0001>
module attributes {stable_mosaic.version = 14 : i64} {
  func.func @_fps_body(%arg0: memref<2x24x1024xf32, #tpu.memory_space<vmem>>, %arg1: memref<2x4096x3xf32, #tpu.memory_space<vmem>>) attributes {dimension_semantics = [], scalar_prefetch = 0 : i64, scratch_operands = 0 : i64, tpu.core_type = #tpu.core_type<tc>} {
    %get3A = arith.constant 0 : index
    %get3A_0 = arith.constant 0 : index
    %get3A_1 = arith.constant 0 : index
    %get3A_2 = vector.load %arg0[%get3A, %get3A_0, %get3A_1] : memref<2x24x1024xf32, #tpu.memory_space<vmem>>, vector<2x8x1024xf32>
    %get3A_3 = arith.constant 0 : index
    %get3A_4 = arith.constant 8 : index
    %get3A_5 = arith.constant 0 : index
    %get3A_6 = vector.load %arg0[%get3A_3, %get3A_4, %get3A_5] : memref<2x24x1024xf32, #tpu.memory_space<vmem>>, vector<2x8x1024xf32>
    %get3A_7 = arith.constant 0 : index
    %get3A_8 = arith.constant 16 : index
    %get3A_9 = arith.constant 0 : index
    %get3A_10 = vector.load %arg0[%get3A_7, %get3A_8, %get3A_9] : memref<2x24x1024xf32, #tpu.memory_space<vmem>>, vector<2x8x1024xf32>
    %iota3A = tpu.iota {dimensions = array<i32: 1>} : vector<2x8x1024xi32>
    %mul3A = arith.constant 1024 : i32
    %mul3A_11 = vector.broadcast %mul3A : i32 to vector<2x8x1024xi32>
    %mul3A_12 = arith.muli %iota3A, %mul3A_11 : vector<2x8x1024xi32>
    %iota3A_13 = tpu.iota {dimensions = array<i32: 2>} : vector<2x8x1024xi32>
    %add3A = arith.addi %mul3A_12, %iota3A_13 : vector<2x8x1024xi32>
    %broadcast_in_dim3A = arith.constant 1.000000e+10 : f32
    %broadcast_in_dim3A_14 = vector.broadcast %broadcast_in_dim3A : f32 to vector<2x8x1024xf32>
    %broadcast_in_dim3A_15 = arith.constant 0 : i32
    %broadcast_in_dim3A_16 = vector.broadcast %broadcast_in_dim3A_15 : i32 to vector<2x1x1xi32>
    %scan3A = arith.constant 0 : i32
    %scan3A_17 = arith.constant 4096 : i32
    %scan3A_18 = arith.addi %scan3A, %scan3A_17 : i32
    %scan3A_19 = arith.constant 1 : i32
    %scan3A_20:2 = scf.for %scan3A_22 = %scan3A to %scan3A_18 step %scan3A_19 iter_args(%scan3A_23 = %broadcast_in_dim3A_14, %scan3A_24 = %broadcast_in_dim3A_16) -> (vector<2x8x1024xf32>, vector<2x1x1xi32>)  : i32 {
      %eq3A = vector.broadcast %scan3A_24 : vector<2x1x1xi32> to vector<2x8x1024xi32>
      %eq3A_25 = arith.cmpi eq, %add3A, %eq3A : vector<2x8x1024xi32>
      %jit3A = arith.constant 0.000000e+00 : f32
      %broadcast_in_dim3A_26 = vector.broadcast %jit3A : f32 to vector<2x8x1024xf32>
      %select_n3A = arith.select %eq3A_25, %get3A_2, %broadcast_in_dim3A_26 : vector<2x8x1024xi1>, vector<2x8x1024xf32>
      %reduce_sum3A = arith.constant dense<0.000000e+00> : vector<2xf32>
      %reduce_sum3A_27 = vector.multi_reduction <add>, %select_n3A, %reduce_sum3A [1, 2] : vector<2x8x1024xf32> to vector<2xf32>
      %broadcast_in_dim3A_28 = vector.shape_cast %reduce_sum3A_27 : vector<2xf32> to vector<2x1x1xf32>
      %jit3A_29 = arith.constant 0.000000e+00 : f32
      %broadcast_in_dim3A_30 = vector.broadcast %jit3A_29 : f32 to vector<2x8x1024xf32>
      %select_n3A_31 = arith.select %eq3A_25, %get3A_6, %broadcast_in_dim3A_30 : vector<2x8x1024xi1>, vector<2x8x1024xf32>
      %reduce_sum3A_32 = arith.constant dense<0.000000e+00> : vector<2xf32>
      %reduce_sum3A_33 = vector.multi_reduction <add>, %select_n3A_31, %reduce_sum3A_32 [1, 2] : vector<2x8x1024xf32> to vector<2xf32>
      %broadcast_in_dim3A_34 = vector.shape_cast %reduce_sum3A_33 : vector<2xf32> to vector<2x1x1xf32>
      %jit3A_35 = arith.constant 0.000000e+00 : f32
      %broadcast_in_dim3A_36 = vector.broadcast %jit3A_35 : f32 to vector<2x8x1024xf32>
      %select_n3A_37 = arith.select %eq3A_25, %get3A_10, %broadcast_in_dim3A_36 : vector<2x8x1024xi1>, vector<2x8x1024xf32>
      %reduce_sum3A_38 = arith.constant dense<0.000000e+00> : vector<2xf32>
      %reduce_sum3A_39 = vector.multi_reduction <add>, %select_n3A_37, %reduce_sum3A_38 [1, 2] : vector<2x8x1024xf32> to vector<2xf32>
      %broadcast_in_dim3A_40 = vector.shape_cast %reduce_sum3A_39 : vector<2xf32> to vector<2x1x1xf32>
      %squeeze3A = vector.shape_cast %broadcast_in_dim3A_28 : vector<2x1x1xf32> to vector<2x1xf32>
      %squeeze3A_41 = vector.shape_cast %broadcast_in_dim3A_34 : vector<2x1x1xf32> to vector<2x1xf32>
      %squeeze3A_42 = vector.shape_cast %broadcast_in_dim3A_40 : vector<2x1x1xf32> to vector<2x1xf32>
      %concatenate3A = tpu.concatenate %squeeze3A, %squeeze3A_41, %squeeze3A_42 in 1 : vector<2x1xf32>, vector<2x1xf32>, vector<2x1xf32> -> vector<2x3xf32>
      %broadcast_in_dim3A_43 = vector.shape_cast %concatenate3A : vector<2x3xf32> to vector<2x1x3xf32>
      %swap3A = arith.constant 0 : index
      %swap3A_44 = arith.index_cast %scan3A_22 : i32 to index
      %swap3A_45 = arith.constant 0 : index
      %swap3A_46 = vector.load %arg1[%swap3A, %swap3A_44, %swap3A_45] : memref<2x4096x3xf32, #tpu.memory_space<vmem>>, vector<2x1x3xf32>
      tpu.vector_store %arg1[%swap3A, %swap3A_44, %swap3A_45], %broadcast_in_dim3A_43 {strides = array<i32>} : memref<2x4096x3xf32, #tpu.memory_space<vmem>>, vector<2x1x3xf32>,
      %sub3A = vector.broadcast %broadcast_in_dim3A_28 : vector<2x1x1xf32> to vector<2x8x1024xf32>
      %sub3A_47 = arith.subf %get3A_2, %sub3A : vector<2x8x1024xf32>
      %sub3A_48 = vector.broadcast %broadcast_in_dim3A_34 : vector<2x1x1xf32> to vector<2x8x1024xf32>
      %sub3A_49 = arith.subf %get3A_6, %sub3A_48 : vector<2x8x1024xf32>
      %sub3A_50 = vector.broadcast %broadcast_in_dim3A_40 : vector<2x1x1xf32> to vector<2x8x1024xf32>
      %sub3A_51 = arith.subf %get3A_10, %sub3A_50 : vector<2x8x1024xf32>
      %mul3A_52 = arith.mulf %sub3A_47, %sub3A_47 : vector<2x8x1024xf32>
      %mul3A_53 = arith.mulf %sub3A_49, %sub3A_49 : vector<2x8x1024xf32>
      %add3A_54 = arith.addf %mul3A_52, %mul3A_53 : vector<2x8x1024xf32>
      %mul3A_55 = arith.mulf %sub3A_51, %sub3A_51 : vector<2x8x1024xf32>
      %add3A_56 = arith.addf %add3A_54, %mul3A_55 : vector<2x8x1024xf32>
      %min3A = arith.minimumf %scan3A_23, %add3A_56 : vector<2x8x1024xf32>
      %reduce_max3A = arith.constant dense<0xFF800000> : vector<2xf32>
      %reduce_max3A_57 = vector.multi_reduction <maximumf>, %min3A, %reduce_max3A [1, 2] : vector<2x8x1024xf32> to vector<2xf32>
      %broadcast_in_dim3A_58 = vector.shape_cast %reduce_max3A_57 : vector<2xf32> to vector<2x1x1xf32>
      %eq3A_59 = vector.broadcast %broadcast_in_dim3A_58 : vector<2x1x1xf32> to vector<2x8x1024xf32>
      %eq3A_60 = arith.cmpf oeq, %min3A, %eq3A_59 : vector<2x8x1024xf32>
      %jit3A_61 = arith.constant 8192 : i32
      %broadcast_in_dim3A_62 = vector.broadcast %jit3A_61 : i32 to vector<2x8x1024xi32>
      %select_n3A_63 = arith.select %eq3A_60, %add3A, %broadcast_in_dim3A_62 : vector<2x8x1024xi1>, vector<2x8x1024xi32>
      %reduce_min3A = arith.constant dense<2147483647> : vector<2xi32>
      %reduce_min3A_64 = vector.multi_reduction <minsi>, %select_n3A_63, %reduce_min3A [1, 2] : vector<2x8x1024xi32> to vector<2xi32>
      %broadcast_in_dim3A_65 = vector.shape_cast %reduce_min3A_64 : vector<2xi32> to vector<2x1x1xi32>
      scf.yield %min3A, %broadcast_in_dim3A_65 : vector<2x8x1024xf32>, vector<2x1x1xi32>
    }
    %scan3A_21 = arith.constant 4096 : i32
    return
  }
}

module attributes {stable_mosaic.version = 14 : i64} {
  func.func @_fps_body(%arg0: memref<2x24x512xf32, #tpu.memory_space<vmem>>, %arg1: memref<2x1024x3xf32, #tpu.memory_space<vmem>>) attributes {dimension_semantics = [], scalar_prefetch = 0 : i64, scratch_operands = 0 : i64, tpu.core_type = #tpu.core_type<tc>} {
    %get3A = arith.constant 0 : index
    %get3A_0 = arith.constant 0 : index
    %get3A_1 = arith.constant 0 : index
    %get3A_2 = vector.load %arg0[%get3A, %get3A_0, %get3A_1] : memref<2x24x512xf32, #tpu.memory_space<vmem>>, vector<2x8x512xf32>
    %get3A_3 = arith.constant 0 : index
    %get3A_4 = arith.constant 8 : index
    %get3A_5 = arith.constant 0 : index
    %get3A_6 = vector.load %arg0[%get3A_3, %get3A_4, %get3A_5] : memref<2x24x512xf32, #tpu.memory_space<vmem>>, vector<2x8x512xf32>
    %get3A_7 = arith.constant 0 : index
    %get3A_8 = arith.constant 16 : index
    %get3A_9 = arith.constant 0 : index
    %get3A_10 = vector.load %arg0[%get3A_7, %get3A_8, %get3A_9] : memref<2x24x512xf32, #tpu.memory_space<vmem>>, vector<2x8x512xf32>
    %iota3A = tpu.iota {dimensions = array<i32: 1>} : vector<2x8x512xi32>
    %mul3A = arith.constant 512 : i32
    %mul3A_11 = vector.broadcast %mul3A : i32 to vector<2x8x512xi32>
    %mul3A_12 = arith.muli %iota3A, %mul3A_11 : vector<2x8x512xi32>
    %iota3A_13 = tpu.iota {dimensions = array<i32: 2>} : vector<2x8x512xi32>
    %add3A = arith.addi %mul3A_12, %iota3A_13 : vector<2x8x512xi32>
    %broadcast_in_dim3A = arith.constant 1.000000e+10 : f32
    %broadcast_in_dim3A_14 = vector.broadcast %broadcast_in_dim3A : f32 to vector<2x8x512xf32>
    %broadcast_in_dim3A_15 = arith.constant 0 : i32
    %broadcast_in_dim3A_16 = vector.broadcast %broadcast_in_dim3A_15 : i32 to vector<2x1x1xi32>
    %scan3A = arith.constant 0 : i32
    %scan3A_17 = arith.constant 1024 : i32
    %scan3A_18 = arith.addi %scan3A, %scan3A_17 : i32
    %scan3A_19 = arith.constant 1 : i32
    %scan3A_20:2 = scf.for %scan3A_22 = %scan3A to %scan3A_18 step %scan3A_19 iter_args(%scan3A_23 = %broadcast_in_dim3A_14, %scan3A_24 = %broadcast_in_dim3A_16) -> (vector<2x8x512xf32>, vector<2x1x1xi32>)  : i32 {
      %eq3A = vector.broadcast %scan3A_24 : vector<2x1x1xi32> to vector<2x8x512xi32>
      %eq3A_25 = arith.cmpi eq, %add3A, %eq3A : vector<2x8x512xi32>
      %jit3A = arith.constant 0.000000e+00 : f32
      %broadcast_in_dim3A_26 = vector.broadcast %jit3A : f32 to vector<2x8x512xf32>
      %select_n3A = arith.select %eq3A_25, %get3A_2, %broadcast_in_dim3A_26 : vector<2x8x512xi1>, vector<2x8x512xf32>
      %reduce_sum3A = arith.constant dense<0.000000e+00> : vector<2xf32>
      %reduce_sum3A_27 = vector.multi_reduction <add>, %select_n3A, %reduce_sum3A [1, 2] : vector<2x8x512xf32> to vector<2xf32>
      %broadcast_in_dim3A_28 = vector.shape_cast %reduce_sum3A_27 : vector<2xf32> to vector<2x1x1xf32>
      %jit3A_29 = arith.constant 0.000000e+00 : f32
      %broadcast_in_dim3A_30 = vector.broadcast %jit3A_29 : f32 to vector<2x8x512xf32>
      %select_n3A_31 = arith.select %eq3A_25, %get3A_6, %broadcast_in_dim3A_30 : vector<2x8x512xi1>, vector<2x8x512xf32>
      %reduce_sum3A_32 = arith.constant dense<0.000000e+00> : vector<2xf32>
      %reduce_sum3A_33 = vector.multi_reduction <add>, %select_n3A_31, %reduce_sum3A_32 [1, 2] : vector<2x8x512xf32> to vector<2xf32>
      %broadcast_in_dim3A_34 = vector.shape_cast %reduce_sum3A_33 : vector<2xf32> to vector<2x1x1xf32>
      %jit3A_35 = arith.constant 0.000000e+00 : f32
      %broadcast_in_dim3A_36 = vector.broadcast %jit3A_35 : f32 to vector<2x8x512xf32>
      %select_n3A_37 = arith.select %eq3A_25, %get3A_10, %broadcast_in_dim3A_36 : vector<2x8x512xi1>, vector<2x8x512xf32>
      %reduce_sum3A_38 = arith.constant dense<0.000000e+00> : vector<2xf32>
      %reduce_sum3A_39 = vector.multi_reduction <add>, %select_n3A_37, %reduce_sum3A_38 [1, 2] : vector<2x8x512xf32> to vector<2xf32>
      %broadcast_in_dim3A_40 = vector.shape_cast %reduce_sum3A_39 : vector<2xf32> to vector<2x1x1xf32>
      %squeeze3A = vector.shape_cast %broadcast_in_dim3A_28 : vector<2x1x1xf32> to vector<2x1xf32>
      %squeeze3A_41 = vector.shape_cast %broadcast_in_dim3A_34 : vector<2x1x1xf32> to vector<2x1xf32>
      %squeeze3A_42 = vector.shape_cast %broadcast_in_dim3A_40 : vector<2x1x1xf32> to vector<2x1xf32>
      %concatenate3A = tpu.concatenate %squeeze3A, %squeeze3A_41, %squeeze3A_42 in 1 : vector<2x1xf32>, vector<2x1xf32>, vector<2x1xf32> -> vector<2x3xf32>
      %broadcast_in_dim3A_43 = vector.shape_cast %concatenate3A : vector<2x3xf32> to vector<2x1x3xf32>
      %swap3A = arith.constant 0 : index
      %swap3A_44 = arith.index_cast %scan3A_22 : i32 to index
      %swap3A_45 = arith.constant 0 : index
      %swap3A_46 = vector.load %arg1[%swap3A, %swap3A_44, %swap3A_45] : memref<2x1024x3xf32, #tpu.memory_space<vmem>>, vector<2x1x3xf32>
      tpu.vector_store %arg1[%swap3A, %swap3A_44, %swap3A_45], %broadcast_in_dim3A_43 {strides = array<i32>} : memref<2x1024x3xf32, #tpu.memory_space<vmem>>, vector<2x1x3xf32>,
      %sub3A = vector.broadcast %broadcast_in_dim3A_28 : vector<2x1x1xf32> to vector<2x8x512xf32>
      %sub3A_47 = arith.subf %get3A_2, %sub3A : vector<2x8x512xf32>
      %sub3A_48 = vector.broadcast %broadcast_in_dim3A_34 : vector<2x1x1xf32> to vector<2x8x512xf32>
      %sub3A_49 = arith.subf %get3A_6, %sub3A_48 : vector<2x8x512xf32>
      %sub3A_50 = vector.broadcast %broadcast_in_dim3A_40 : vector<2x1x1xf32> to vector<2x8x512xf32>
      %sub3A_51 = arith.subf %get3A_10, %sub3A_50 : vector<2x8x512xf32>
      %mul3A_52 = arith.mulf %sub3A_47, %sub3A_47 : vector<2x8x512xf32>
      %mul3A_53 = arith.mulf %sub3A_49, %sub3A_49 : vector<2x8x512xf32>
      %add3A_54 = arith.addf %mul3A_52, %mul3A_53 : vector<2x8x512xf32>
      %mul3A_55 = arith.mulf %sub3A_51, %sub3A_51 : vector<2x8x512xf32>
      %add3A_56 = arith.addf %add3A_54, %mul3A_55 : vector<2x8x512xf32>
      %min3A = arith.minimumf %scan3A_23, %add3A_56 : vector<2x8x512xf32>
      %reduce_max3A = arith.constant dense<0xFF800000> : vector<2xf32>
      %reduce_max3A_57 = vector.multi_reduction <maximumf>, %min3A, %reduce_max3A [1, 2] : vector<2x8x512xf32> to vector<2xf32>
      %broadcast_in_dim3A_58 = vector.shape_cast %reduce_max3A_57 : vector<2xf32> to vector<2x1x1xf32>
      %eq3A_59 = vector.broadcast %broadcast_in_dim3A_58 : vector<2x1x1xf32> to vector<2x8x512xf32>
      %eq3A_60 = arith.cmpf oeq, %min3A, %eq3A_59 : vector<2x8x512xf32>
      %jit3A_61 = arith.constant 4096 : i32
      %broadcast_in_dim3A_62 = vector.broadcast %jit3A_61 : i32 to vector<2x8x512xi32>
      %select_n3A_63 = arith.select %eq3A_60, %add3A, %broadcast_in_dim3A_62 : vector<2x8x512xi1>, vector<2x8x512xi32>
      %reduce_min3A = arith.constant dense<2147483647> : vector<2xi32>
      %reduce_min3A_64 = vector.multi_reduction <minsi>, %select_n3A_63, %reduce_min3A [1, 2] : vector<2x8x512xi32> to vector<2xi32>
      %broadcast_in_dim3A_65 = vector.shape_cast %reduce_min3A_64 : vector<2xi32> to vector<2x1x1xi32>
      scf.yield %min3A, %broadcast_in_dim3A_65 : vector<2x8x512xf32>, vector<2x1x1xi32>
    }
    %scan3A_21 = arith.constant 1024 : i32
    return
  }
}

module attributes {stable_mosaic.version = 14 : i64} {
  func.func @_fps_body(%arg0: memref<2x24x128xf32, #tpu.memory_space<vmem>>, %arg1: memref<2x256x3xf32, #tpu.memory_space<vmem>>) attributes {dimension_semantics = [], scalar_prefetch = 0 : i64, scratch_operands = 0 : i64, tpu.core_type = #tpu.core_type<tc>} {
    %get3A = arith.constant 0 : index
    %get3A_0 = arith.constant 0 : index
    %get3A_1 = arith.constant 0 : index
    %get3A_2 = vector.load %arg0[%get3A, %get3A_0, %get3A_1] : memref<2x24x128xf32, #tpu.memory_space<vmem>>, vector<2x8x128xf32>
    %get3A_3 = arith.constant 0 : index
    %get3A_4 = arith.constant 8 : index
    %get3A_5 = arith.constant 0 : index
    %get3A_6 = vector.load %arg0[%get3A_3, %get3A_4, %get3A_5] : memref<2x24x128xf32, #tpu.memory_space<vmem>>, vector<2x8x128xf32>
    %get3A_7 = arith.constant 0 : index
    %get3A_8 = arith.constant 16 : index
    %get3A_9 = arith.constant 0 : index
    %get3A_10 = vector.load %arg0[%get3A_7, %get3A_8, %get3A_9] : memref<2x24x128xf32, #tpu.memory_space<vmem>>, vector<2x8x128xf32>
    %iota3A = tpu.iota {dimensions = array<i32: 1>} : vector<2x8x128xi32>
    %mul3A = arith.constant 128 : i32
    %mul3A_11 = vector.broadcast %mul3A : i32 to vector<2x8x128xi32>
    %mul3A_12 = arith.muli %iota3A, %mul3A_11 : vector<2x8x128xi32>
    %iota3A_13 = tpu.iota {dimensions = array<i32: 2>} : vector<2x8x128xi32>
    %add3A = arith.addi %mul3A_12, %iota3A_13 : vector<2x8x128xi32>
    %broadcast_in_dim3A = arith.constant 1.000000e+10 : f32
    %broadcast_in_dim3A_14 = vector.broadcast %broadcast_in_dim3A : f32 to vector<2x8x128xf32>
    %broadcast_in_dim3A_15 = arith.constant 0 : i32
    %broadcast_in_dim3A_16 = vector.broadcast %broadcast_in_dim3A_15 : i32 to vector<2x1x1xi32>
    %scan3A = arith.constant 0 : i32
    %scan3A_17 = arith.constant 256 : i32
    %scan3A_18 = arith.addi %scan3A, %scan3A_17 : i32
    %scan3A_19 = arith.constant 1 : i32
    %scan3A_20:2 = scf.for %scan3A_22 = %scan3A to %scan3A_18 step %scan3A_19 iter_args(%scan3A_23 = %broadcast_in_dim3A_14, %scan3A_24 = %broadcast_in_dim3A_16) -> (vector<2x8x128xf32>, vector<2x1x1xi32>)  : i32 {
      %eq3A = vector.broadcast %scan3A_24 : vector<2x1x1xi32> to vector<2x8x128xi32>
      %eq3A_25 = arith.cmpi eq, %add3A, %eq3A : vector<2x8x128xi32>
      %jit3A = arith.constant 0.000000e+00 : f32
      %broadcast_in_dim3A_26 = vector.broadcast %jit3A : f32 to vector<2x8x128xf32>
      %select_n3A = arith.select %eq3A_25, %get3A_2, %broadcast_in_dim3A_26 : vector<2x8x128xi1>, vector<2x8x128xf32>
      %reduce_sum3A = arith.constant dense<0.000000e+00> : vector<2xf32>
      %reduce_sum3A_27 = vector.multi_reduction <add>, %select_n3A, %reduce_sum3A [1, 2] : vector<2x8x128xf32> to vector<2xf32>
      %broadcast_in_dim3A_28 = vector.shape_cast %reduce_sum3A_27 : vector<2xf32> to vector<2x1x1xf32>
      %jit3A_29 = arith.constant 0.000000e+00 : f32
      %broadcast_in_dim3A_30 = vector.broadcast %jit3A_29 : f32 to vector<2x8x128xf32>
      %select_n3A_31 = arith.select %eq3A_25, %get3A_6, %broadcast_in_dim3A_30 : vector<2x8x128xi1>, vector<2x8x128xf32>
      %reduce_sum3A_32 = arith.constant dense<0.000000e+00> : vector<2xf32>
      %reduce_sum3A_33 = vector.multi_reduction <add>, %select_n3A_31, %reduce_sum3A_32 [1, 2] : vector<2x8x128xf32> to vector<2xf32>
      %broadcast_in_dim3A_34 = vector.shape_cast %reduce_sum3A_33 : vector<2xf32> to vector<2x1x1xf32>
      %jit3A_35 = arith.constant 0.000000e+00 : f32
      %broadcast_in_dim3A_36 = vector.broadcast %jit3A_35 : f32 to vector<2x8x128xf32>
      %select_n3A_37 = arith.select %eq3A_25, %get3A_10, %broadcast_in_dim3A_36 : vector<2x8x128xi1>, vector<2x8x128xf32>
      %reduce_sum3A_38 = arith.constant dense<0.000000e+00> : vector<2xf32>
      %reduce_sum3A_39 = vector.multi_reduction <add>, %select_n3A_37, %reduce_sum3A_38 [1, 2] : vector<2x8x128xf32> to vector<2xf32>
      %broadcast_in_dim3A_40 = vector.shape_cast %reduce_sum3A_39 : vector<2xf32> to vector<2x1x1xf32>
      %squeeze3A = vector.shape_cast %broadcast_in_dim3A_28 : vector<2x1x1xf32> to vector<2x1xf32>
      %squeeze3A_41 = vector.shape_cast %broadcast_in_dim3A_34 : vector<2x1x1xf32> to vector<2x1xf32>
      %squeeze3A_42 = vector.shape_cast %broadcast_in_dim3A_40 : vector<2x1x1xf32> to vector<2x1xf32>
      %concatenate3A = tpu.concatenate %squeeze3A, %squeeze3A_41, %squeeze3A_42 in 1 : vector<2x1xf32>, vector<2x1xf32>, vector<2x1xf32> -> vector<2x3xf32>
      %broadcast_in_dim3A_43 = vector.shape_cast %concatenate3A : vector<2x3xf32> to vector<2x1x3xf32>
      %swap3A = arith.constant 0 : index
      %swap3A_44 = arith.index_cast %scan3A_22 : i32 to index
      %swap3A_45 = arith.constant 0 : index
      %swap3A_46 = vector.load %arg1[%swap3A, %swap3A_44, %swap3A_45] : memref<2x256x3xf32, #tpu.memory_space<vmem>>, vector<2x1x3xf32>
      tpu.vector_store %arg1[%swap3A, %swap3A_44, %swap3A_45], %broadcast_in_dim3A_43 {strides = array<i32>} : memref<2x256x3xf32, #tpu.memory_space<vmem>>, vector<2x1x3xf32>,
      %sub3A = vector.broadcast %broadcast_in_dim3A_28 : vector<2x1x1xf32> to vector<2x8x128xf32>
      %sub3A_47 = arith.subf %get3A_2, %sub3A : vector<2x8x128xf32>
      %sub3A_48 = vector.broadcast %broadcast_in_dim3A_34 : vector<2x1x1xf32> to vector<2x8x128xf32>
      %sub3A_49 = arith.subf %get3A_6, %sub3A_48 : vector<2x8x128xf32>
      %sub3A_50 = vector.broadcast %broadcast_in_dim3A_40 : vector<2x1x1xf32> to vector<2x8x128xf32>
      %sub3A_51 = arith.subf %get3A_10, %sub3A_50 : vector<2x8x128xf32>
      %mul3A_52 = arith.mulf %sub3A_47, %sub3A_47 : vector<2x8x128xf32>
      %mul3A_53 = arith.mulf %sub3A_49, %sub3A_49 : vector<2x8x128xf32>
      %add3A_54 = arith.addf %mul3A_52, %mul3A_53 : vector<2x8x128xf32>
      %mul3A_55 = arith.mulf %sub3A_51, %sub3A_51 : vector<2x8x128xf32>
      %add3A_56 = arith.addf %add3A_54, %mul3A_55 : vector<2x8x128xf32>
      %min3A = arith.minimumf %scan3A_23, %add3A_56 : vector<2x8x128xf32>
      %reduce_max3A = arith.constant dense<0xFF800000> : vector<2xf32>
      %reduce_max3A_57 = vector.multi_reduction <maximumf>, %min3A, %reduce_max3A [1, 2] : vector<2x8x128xf32> to vector<2xf32>
      %broadcast_in_dim3A_58 = vector.shape_cast %reduce_max3A_57 : vector<2xf32> to vector<2x1x1xf32>
      %eq3A_59 = vector.broadcast %broadcast_in_dim3A_58 : vector<2x1x1xf32> to vector<2x8x128xf32>
      %eq3A_60 = arith.cmpf oeq, %min3A, %eq3A_59 : vector<2x8x128xf32>
      %jit3A_61 = arith.constant 1024 : i32
      %broadcast_in_dim3A_62 = vector.broadcast %jit3A_61 : i32 to vector<2x8x128xi32>
      %select_n3A_63 = arith.select %eq3A_60, %add3A, %broadcast_in_dim3A_62 : vector<2x8x128xi1>, vector<2x8x128xi32>
      %reduce_min3A = arith.constant dense<2147483647> : vector<2xi32>
      %reduce_min3A_64 = vector.multi_reduction <minsi>, %select_n3A_63, %reduce_min3A [1, 2] : vector<2x8x128xi32> to vector<2xi32>
      %broadcast_in_dim3A_65 = vector.shape_cast %reduce_min3A_64 : vector<2xi32> to vector<2x1x1xi32>
      scf.yield %min3A, %broadcast_in_dim3A_65 : vector<2x8x128xf32>, vector<2x1x1xi32>
    }
    %scan3A_21 = arith.constant 256 : i32
    return
  }
}

module attributes {stable_mosaic.version = 14 : i64} {
  func.func @_fps_body(%arg0: memref<2x24x32xf32, #tpu.memory_space<vmem>>, %arg1: memref<2x64x3xf32, #tpu.memory_space<vmem>>) attributes {dimension_semantics = [], scalar_prefetch = 0 : i64, scratch_operands = 0 : i64, tpu.core_type = #tpu.core_type<tc>} {
    %get3A = arith.constant 0 : index
    %get3A_0 = arith.constant 0 : index
    %get3A_1 = arith.constant 0 : index
    %get3A_2 = vector.load %arg0[%get3A, %get3A_0, %get3A_1] : memref<2x24x32xf32, #tpu.memory_space<vmem>>, vector<2x8x32xf32>
    %get3A_3 = arith.constant 0 : index
    %get3A_4 = arith.constant 8 : index
    %get3A_5 = arith.constant 0 : index
    %get3A_6 = vector.load %arg0[%get3A_3, %get3A_4, %get3A_5] : memref<2x24x32xf32, #tpu.memory_space<vmem>>, vector<2x8x32xf32>
    %get3A_7 = arith.constant 0 : index
    %get3A_8 = arith.constant 16 : index
    %get3A_9 = arith.constant 0 : index
    %get3A_10 = vector.load %arg0[%get3A_7, %get3A_8, %get3A_9] : memref<2x24x32xf32, #tpu.memory_space<vmem>>, vector<2x8x32xf32>
    %iota3A = tpu.iota {dimensions = array<i32: 1>} : vector<2x8x32xi32>
    %mul3A = arith.constant 32 : i32
    %mul3A_11 = vector.broadcast %mul3A : i32 to vector<2x8x32xi32>
    %mul3A_12 = arith.muli %iota3A, %mul3A_11 : vector<2x8x32xi32>
    %iota3A_13 = tpu.iota {dimensions = array<i32: 2>} : vector<2x8x32xi32>
    %add3A = arith.addi %mul3A_12, %iota3A_13 : vector<2x8x32xi32>
    %broadcast_in_dim3A = arith.constant 1.000000e+10 : f32
    %broadcast_in_dim3A_14 = vector.broadcast %broadcast_in_dim3A : f32 to vector<2x8x32xf32>
    %broadcast_in_dim3A_15 = arith.constant 0 : i32
    %broadcast_in_dim3A_16 = vector.broadcast %broadcast_in_dim3A_15 : i32 to vector<2x1x1xi32>
    %scan3A = arith.constant 0 : i32
    %scan3A_17 = arith.constant 64 : i32
    %scan3A_18 = arith.addi %scan3A, %scan3A_17 : i32
    %scan3A_19 = arith.constant 1 : i32
    %scan3A_20:2 = scf.for %scan3A_22 = %scan3A to %scan3A_18 step %scan3A_19 iter_args(%scan3A_23 = %broadcast_in_dim3A_14, %scan3A_24 = %broadcast_in_dim3A_16) -> (vector<2x8x32xf32>, vector<2x1x1xi32>)  : i32 {
      %eq3A = vector.broadcast %scan3A_24 : vector<2x1x1xi32> to vector<2x8x32xi32>
      %eq3A_25 = arith.cmpi eq, %add3A, %eq3A : vector<2x8x32xi32>
      %jit3A = arith.constant 0.000000e+00 : f32
      %broadcast_in_dim3A_26 = vector.broadcast %jit3A : f32 to vector<2x8x32xf32>
      %select_n3A = arith.select %eq3A_25, %get3A_2, %broadcast_in_dim3A_26 : vector<2x8x32xi1>, vector<2x8x32xf32>
      %reduce_sum3A = arith.constant dense<0.000000e+00> : vector<2xf32>
      %reduce_sum3A_27 = vector.multi_reduction <add>, %select_n3A, %reduce_sum3A [1, 2] : vector<2x8x32xf32> to vector<2xf32>
      %broadcast_in_dim3A_28 = vector.shape_cast %reduce_sum3A_27 : vector<2xf32> to vector<2x1x1xf32>
      %jit3A_29 = arith.constant 0.000000e+00 : f32
      %broadcast_in_dim3A_30 = vector.broadcast %jit3A_29 : f32 to vector<2x8x32xf32>
      %select_n3A_31 = arith.select %eq3A_25, %get3A_6, %broadcast_in_dim3A_30 : vector<2x8x32xi1>, vector<2x8x32xf32>
      %reduce_sum3A_32 = arith.constant dense<0.000000e+00> : vector<2xf32>
      %reduce_sum3A_33 = vector.multi_reduction <add>, %select_n3A_31, %reduce_sum3A_32 [1, 2] : vector<2x8x32xf32> to vector<2xf32>
      %broadcast_in_dim3A_34 = vector.shape_cast %reduce_sum3A_33 : vector<2xf32> to vector<2x1x1xf32>
      %jit3A_35 = arith.constant 0.000000e+00 : f32
      %broadcast_in_dim3A_36 = vector.broadcast %jit3A_35 : f32 to vector<2x8x32xf32>
      %select_n3A_37 = arith.select %eq3A_25, %get3A_10, %broadcast_in_dim3A_36 : vector<2x8x32xi1>, vector<2x8x32xf32>
      %reduce_sum3A_38 = arith.constant dense<0.000000e+00> : vector<2xf32>
      %reduce_sum3A_39 = vector.multi_reduction <add>, %select_n3A_37, %reduce_sum3A_38 [1, 2] : vector<2x8x32xf32> to vector<2xf32>
      %broadcast_in_dim3A_40 = vector.shape_cast %reduce_sum3A_39 : vector<2xf32> to vector<2x1x1xf32>
      %squeeze3A = vector.shape_cast %broadcast_in_dim3A_28 : vector<2x1x1xf32> to vector<2x1xf32>
      %squeeze3A_41 = vector.shape_cast %broadcast_in_dim3A_34 : vector<2x1x1xf32> to vector<2x1xf32>
      %squeeze3A_42 = vector.shape_cast %broadcast_in_dim3A_40 : vector<2x1x1xf32> to vector<2x1xf32>
      %concatenate3A = tpu.concatenate %squeeze3A, %squeeze3A_41, %squeeze3A_42 in 1 : vector<2x1xf32>, vector<2x1xf32>, vector<2x1xf32> -> vector<2x3xf32>
      %broadcast_in_dim3A_43 = vector.shape_cast %concatenate3A : vector<2x3xf32> to vector<2x1x3xf32>
      %swap3A = arith.constant 0 : index
      %swap3A_44 = arith.index_cast %scan3A_22 : i32 to index
      %swap3A_45 = arith.constant 0 : index
      %swap3A_46 = vector.load %arg1[%swap3A, %swap3A_44, %swap3A_45] : memref<2x64x3xf32, #tpu.memory_space<vmem>>, vector<2x1x3xf32>
      tpu.vector_store %arg1[%swap3A, %swap3A_44, %swap3A_45], %broadcast_in_dim3A_43 {strides = array<i32>} : memref<2x64x3xf32, #tpu.memory_space<vmem>>, vector<2x1x3xf32>,
      %sub3A = vector.broadcast %broadcast_in_dim3A_28 : vector<2x1x1xf32> to vector<2x8x32xf32>
      %sub3A_47 = arith.subf %get3A_2, %sub3A : vector<2x8x32xf32>
      %sub3A_48 = vector.broadcast %broadcast_in_dim3A_34 : vector<2x1x1xf32> to vector<2x8x32xf32>
      %sub3A_49 = arith.subf %get3A_6, %sub3A_48 : vector<2x8x32xf32>
      %sub3A_50 = vector.broadcast %broadcast_in_dim3A_40 : vector<2x1x1xf32> to vector<2x8x32xf32>
      %sub3A_51 = arith.subf %get3A_10, %sub3A_50 : vector<2x8x32xf32>
      %mul3A_52 = arith.mulf %sub3A_47, %sub3A_47 : vector<2x8x32xf32>
      %mul3A_53 = arith.mulf %sub3A_49, %sub3A_49 : vector<2x8x32xf32>
      %add3A_54 = arith.addf %mul3A_52, %mul3A_53 : vector<2x8x32xf32>
      %mul3A_55 = arith.mulf %sub3A_51, %sub3A_51 : vector<2x8x32xf32>
      %add3A_56 = arith.addf %add3A_54, %mul3A_55 : vector<2x8x32xf32>
      %min3A = arith.minimumf %scan3A_23, %add3A_56 : vector<2x8x32xf32>
      %reduce_max3A = arith.constant dense<0xFF800000> : vector<2xf32>
      %reduce_max3A_57 = vector.multi_reduction <maximumf>, %min3A, %reduce_max3A [1, 2] : vector<2x8x32xf32> to vector<2xf32>
      %broadcast_in_dim3A_58 = vector.shape_cast %reduce_max3A_57 : vector<2xf32> to vector<2x1x1xf32>
      %eq3A_59 = vector.broadcast %broadcast_in_dim3A_58 : vector<2x1x1xf32> to vector<2x8x32xf32>
      %eq3A_60 = arith.cmpf oeq, %min3A, %eq3A_59 : vector<2x8x32xf32>
      %jit3A_61 = arith.constant 256 : i32
      %broadcast_in_dim3A_62 = vector.broadcast %jit3A_61 : i32 to vector<2x8x32xi32>
      %select_n3A_63 = arith.select %eq3A_60, %add3A, %broadcast_in_dim3A_62 : vector<2x8x32xi1>, vector<2x8x32xi32>
      %reduce_min3A = arith.constant dense<2147483647> : vector<2xi32>
      %reduce_min3A_64 = vector.multi_reduction <minsi>, %select_n3A_63, %reduce_min3A [1, 2] : vector<2x8x32xi32> to vector<2xi32>
      %broadcast_in_dim3A_65 = vector.shape_cast %reduce_min3A_64 : vector<2xi32> to vector<2x1x1xi32>
      scf.yield %min3A, %broadcast_in_dim3A_65 : vector<2x8x32xf32>, vector<2x1x1xi32>
    }
    %scan3A_21 = arith.constant 64 : i32
    return
  }
}

module attributes {stable_mosaic.version = 14 : i64} {
  func.func @_head_kernel(%arg0: memref<2x128x8192xf32, #tpu.memory_space<vmem>>, %arg1: memref<64x128xf32, #tpu.memory_space<vmem>>, %arg2: memref<64xf32, #tpu.memory_space<vmem>>, %arg3: memref<64xf32, #tpu.memory_space<vmem>>, %arg4: memref<3x64xf32, #tpu.memory_space<vmem>>, %arg5: memref<3xf32, #tpu.memory_space<vmem>>, %arg6: memref<2x3x8192xf32, #tpu.memory_space<vmem>>) attributes {dimension_semantics = [], scalar_prefetch = 0 : i64, scratch_operands = 0 : i64, tpu.core_type = #tpu.core_type<tc>} {
    %get3A = arith.constant 0 : index
    %get3A_0 = arith.constant 0 : index
    %get3A_1 = arith.constant 0 : index
    %get3A_2 = vector.load %arg0[%get3A, %get3A_0, %get3A_1] : memref<2x128x8192xf32, #tpu.memory_space<vmem>>, vector<2x128x8192xf32>
    %get3A_3 = arith.constant 0 : index
    %get3A_4 = arith.constant 0 : index
    %get3A_5 = vector.load %arg1[%get3A_3, %get3A_4] : memref<64x128xf32, #tpu.memory_space<vmem>>, vector<64x128xf32>
    "tpu.trace_start"() <{level = 10 : i32, message = "oc,bcn->bon"}> : () -> ()
    %dot_general3A = arith.constant dense<0.000000e+00> : vector<2x8192x64xf32>
    %dot_general3A_6 = tpu.matmul %get3A_2, %get3A_5, %dot_general3A {dimension_numbers = #tpu.dot_dimension_numbers<[1], [1], [0, 2], [0], [0, 0, 0, 2, 1, 0], [], []>, transpose_lhs_hint = false} : vector<2x128x8192xf32>, vector<64x128xf32>, vector<2x8192x64xf32> -> vector<2x8192x64xf32>
    %transpose3A = tpu.transpose %dot_general3A_6, [0, 2, 1] : vector<2x8192x64xf32> -> vector<2x64x8192xf32>
    "tpu.trace_stop"() : () -> ()
    %reduce_sum3A = arith.constant dense<0.000000e+00> : vector<64xf32>
    %reduce_sum3A_7 = vector.multi_reduction <add>, %transpose3A, %reduce_sum3A [0, 2] : vector<2x64x8192xf32> to vector<64xf32>
    %broadcast_in_dim3A = vector.shape_cast %reduce_sum3A_7 : vector<64xf32> to vector<1x64x1xf32>
    %div3A = arith.constant 1.638400e+04 : f32
    %div3A_8 = vector.broadcast %div3A : f32 to vector<1x64x1xf32>
    %div3A_9 = arith.divf %broadcast_in_dim3A, %div3A_8 : vector<1x64x1xf32>
    %jit3A = arith.constant 0 : i32
    %reduce_sum3A_10 = arith.constant dense<0.000000e+00> : vector<64xf32>
    %reduce_sum3A_11 = vector.multi_reduction <add>, %transpose3A, %reduce_sum3A_10 [0, 2] : vector<2x64x8192xf32> to vector<64xf32>
    %broadcast_in_dim3A_12 = vector.shape_cast %reduce_sum3A_11 : vector<64xf32> to vector<1x64x1xf32>
    %div3A_13 = arith.constant 1.638400e+04 : f32
    %div3A_14 = vector.broadcast %div3A_13 : f32 to vector<1x64x1xf32>
    %div3A_15 = arith.divf %broadcast_in_dim3A_12, %div3A_14 : vector<1x64x1xf32>
    %sub3A = vector.broadcast %div3A_15 : vector<1x64x1xf32> to vector<2x64x8192xf32>
    %sub3A_16 = arith.subf %transpose3A, %sub3A : vector<2x64x8192xf32>
    %square3A = arith.mulf %sub3A_16, %sub3A_16 : vector<2x64x8192xf32>
    %convert_element_type3A = arith.sitofp %jit3A : i32 to f32
    %sub3A_17 = arith.constant 1.638400e+04 : f32
    %sub3A_18 = arith.subf %sub3A_17, %convert_element_type3A : f32
    %reduce_sum3A_19 = arith.constant dense<0.000000e+00> : vector<64xf32>
    %reduce_sum3A_20 = vector.multi_reduction <add>, %square3A, %reduce_sum3A_19 [0, 2] : vector<2x64x8192xf32> to vector<64xf32>
    %broadcast_in_dim3A_21 = vector.shape_cast %reduce_sum3A_20 : vector<64xf32> to vector<1x64x1xf32>
    %div3A_22 = vector.broadcast %sub3A_18 : f32 to vector<1x64x1xf32>
    %div3A_23 = arith.divf %broadcast_in_dim3A_21, %div3A_22 : vector<1x64x1xf32>
    %gt3A = arith.constant 0.000000e+00 : f32
    %gt3A_24 = arith.cmpf ogt, %sub3A_18, %gt3A : f32
    %jit3A_25 = arith.constant 0x7FC00000 : f32
    %broadcast_in_dim3A_26 = vector.broadcast %jit3A_25 : f32 to vector<1x64x1xf32>
    %select_n3A = arith.select %gt3A_24, %div3A_23, %broadcast_in_dim3A_26 : vector<1x64x1xf32>
    %sub3A_27 = vector.broadcast %div3A_9 : vector<1x64x1xf32> to vector<2x64x8192xf32>
    %sub3A_28 = arith.subf %transpose3A, %sub3A_27 : vector<2x64x8192xf32>
    %add3A = arith.constant 9.99999974E-6 : f32
    %add3A_29 = vector.broadcast %add3A : f32 to vector<1x64x1xf32>
    %add3A_30 = arith.addf %select_n3A, %add3A_29 : vector<1x64x1xf32>
    %sqrt3A = math.sqrt %add3A_30 : vector<1x64x1xf32>
    %div3A_31 = vector.broadcast %sqrt3A : vector<1x64x1xf32> to vector<2x64x8192xf32>
    %div3A_32 = arith.divf %sub3A_28, %div3A_31 : vector<2x64x8192xf32>
    %get3A_33 = arith.constant 0 : index
    %get3A_34 = vector.load %arg2[%get3A_33] : memref<64xf32, #tpu.memory_space<vmem>>, vector<64xf32>
    %broadcast_in_dim3A_35 = vector.shape_cast %get3A_34 : vector<64xf32> to vector<1x64x1xf32>
    %mul3A = vector.broadcast %broadcast_in_dim3A_35 : vector<1x64x1xf32> to vector<2x64x8192xf32>
    %mul3A_36 = arith.mulf %div3A_32, %mul3A : vector<2x64x8192xf32>
    %get3A_37 = arith.constant 0 : index
    %get3A_38 = vector.load %arg3[%get3A_37] : memref<64xf32, #tpu.memory_space<vmem>>, vector<64xf32>
    %broadcast_in_dim3A_39 = vector.shape_cast %get3A_38 : vector<64xf32> to vector<1x64x1xf32>
    %add3A_40 = vector.broadcast %broadcast_in_dim3A_39 : vector<1x64x1xf32> to vector<2x64x8192xf32>
    %add3A_41 = arith.addf %mul3A_36, %add3A_40 : vector<2x64x8192xf32>
    %max3A = arith.constant 0.000000e+00 : f32
    %max3A_42 = vector.broadcast %max3A : f32 to vector<2x64x8192xf32>
    %max3A_43 = arith.maximumf %add3A_41, %max3A_42 : vector<2x64x8192xf32>
    %get3A_44 = arith.constant 0 : index
    %get3A_45 = arith.constant 0 : index
    %get3A_46 = vector.load %arg4[%get3A_44, %get3A_45] : memref<3x64xf32, #tpu.memory_space<vmem>>, vector<3x64xf32>
    "tpu.trace_start"() <{level = 10 : i32, message = "oc,bcn->bon"}> : () -> ()
    %dot_general3A_47 = arith.constant dense<0.000000e+00> : vector<2x8192x3xf32>
    %dot_general3A_48 = tpu.matmul %max3A_43, %get3A_46, %dot_general3A_47 {dimension_numbers = #tpu.dot_dimension_numbers<[1], [1], [0, 2], [0], [0, 0, 0, 2, 1, 0], [], []>, transpose_lhs_hint = false} : vector<2x64x8192xf32>, vector<3x64xf32>, vector<2x8192x3xf32> -> vector<2x8192x3xf32>
    %transpose3A_49 = tpu.transpose %dot_general3A_48, [0, 2, 1] : vector<2x8192x3xf32> -> vector<2x3x8192xf32>
    "tpu.trace_stop"() : () -> ()
    %get3A_50 = arith.constant 0 : index
    %get3A_51 = vector.load %arg5[%get3A_50] : memref<3xf32, #tpu.memory_space<vmem>>, vector<3xf32>
    %broadcast_in_dim3A_52 = vector.shape_cast %get3A_51 : vector<3xf32> to vector<1x3x1xf32>
    %add3A_53 = vector.broadcast %broadcast_in_dim3A_52 : vector<1x3x1xf32> to vector<2x3x8192xf32>
    %add3A_54 = arith.addf %transpose3A_49, %add3A_53 : vector<2x3x8192xf32>
    %swap3A = arith.constant 0 : index
    %swap3A_55 = arith.constant 0 : index
    %swap3A_56 = arith.constant 0 : index
    %swap3A_57 = vector.load %arg6[%swap3A, %swap3A_55, %swap3A_56] : memref<2x3x8192xf32, #tpu.memory_space<vmem>>, vector<2x3x8192xf32>
    tpu.vector_store %arg6[%swap3A, %swap3A_55, %swap3A_56], %add3A_54 {strides = array<i32>} : memref<2x3x8192xf32, #tpu.memory_space<vmem>>, vector<2x3x8192xf32>,
    return
  }
}

</mosaic_0001>

<sc_bundles>
// kernel: sparse-core-data-format-call.1.cloned.1.call-start
scs
called_computation.1_lowered:
.L_overlay_start_0:
0x0: {  	s2 =	sld [smem:$0x3FD9]  }
0x1: {  	s3 =	sld [smem:$0x3FFE];
	_ =	sdelay $0x1  }
0x2: {  	s1 =	srdreg.scid  }
0x3: {  	s0 =	sand.u32 $0x1, s1  }
0x4: {  	s18 =	sshll.u32 s0, $0xA;
	s2 =	sadd.s32 s3, s2  }
0x5: {  	s2 =	sadd.s32 s2, s18  }
0x6: {  	[smem:$0x3F6E] =	sst s2  }
0x7: {  	_ = 	snop  }
0x8: {  	(tm) =	ssettm $0x1  }
0x9: {  	s19 =	sld [smem:$0x3FFB];
	_ =	sdelay $0x3  }
0xa: {  	_ =	strace s19  }
0xb: {  	s2 =	sld [smem:$0x3FFC];
	_ =	sdelay $0x3  }
0xc: {  	_ =	strace s2  }
0xd: {  	s2 =	sld [smem:$0x3FFD];
	_ =	sdelay $0x3  }
0xe: {  	_ =	strace s2  }
0xf: {  	_ =	strace $0x8FFFFFFF  }
0x10: {  	s20 =	sld [smem:$0x3FDB];
	_ =	sdelay $0x1  }
0x11: {  	s21 =	simm.s32 $_scs_section_size  }
0x12: {  	s4 =	simm.s32 $_size__tile_overlayer_lowered;
	s5 =	simm.s32 $_tile_overlayer_lowered  }
0x13: {  	s6 =	simm.s32 $0x1BFF;
	s22 =	sshll.u32 s5, $0x1;
	s3 =	sadd.s32 s21, s20  }
0x14: {  	s23 =	simm.s32 $0x0;
	s4 =	sshll.u32 s4, $0x1;
	s5 =	sadd.s32 s22, s3  }
0x15: {  	[timem:s23], [sflag:s6] =	dma.local [hbm:s5], s4  }
0x16: {  	_ =	swait.ge [sflag:s6], s4  }
0x17: {  	s4 =	ssub.s32 $0x0, s4;
	[sflag:s6] =	ssyncset.done $0x0  }
0x18: {  	[sflag:s6] =	ssyncadd.s32 s4;
	_ =	sdelay $0x1  }
0x19: {  	s24 =	simm.s32 $0x1B8B  }
0x1a: {  	_ =	swait.ge [sflag:s24], $0x1  }
0x1b: {  	[sflag:s24] =	ssyncset.done $0x0  }
0x1c: {  	[sflag:s24] =	ssyncadd.s32 $0xFFFFFFFF  }
0x1d: {  	s4 =	sld [smem:$0x0]  }
0x1e: {  	s5 =	sand.u32 $0xFFFFFFFE, s1  }
0x1f: {  	p0 =	sne.s32 s1, s5  }
0x20: {  	s5 =	sshll.u32 @p0 s5, $0xE  }
0x21: {  	s5 =	sadd.s32 @p0 $0x11B8D, s5;
	s6 =	sshll.u32 @p0 s4, $0x11  }
0x22: {  	s5 =	sor.u32 @p0 s6, s5  }
0x23: {  	[sflag:s5] =	ssyncadd.remote.s32 @p0 $0x1;
	_ =	sdelay $0x1  }
0x24: {  	s5 =	simm.s32 @p0 $0x1B8D  }
0x25: {  	_ =	swait.eq @p0 [sflag:s5], $0x1  }
0x26: {  	[sflag:s5] =	ssyncadd.s32 @p0 $0xFFFFFFFF  }
0x27: {  	s6 =	sshll.u32 @!p0 s1, $0xE  }
0x28: {  	s6 =	sor.u32 @!p0 $0x4000, s6;
	s5 =	simm.s32 @!p0 $0x1B8D  }
0x29: {  	s4 =	sshll.u32 @!p0 s4, $0x11;
	s6 =	sadd.s32 @!p0 $0x11B8D, s6;
	_ =	swait.eq @!p0 [sflag:s5], $0x1  }
0x2a: {  	s4 =	sor.u32 @!p0 s4, s6;
	[sflag:s5] =	ssyncadd.s32 @!p0 $0xFFFFFFFF  }
0x2b: {  	s26 =	simm.s32 $0x1B8E;
	s25 =	sld [smem:$0x3FFE];
	[sflag:s4] =	ssyncadd.remote.s32 @!p0 $0x1  }
0x2c: {  	s27 =	simm.s32 $execute0_lowered;
	[smem:$0x3FD2] =	sst s26  }
0x2d: {  	s5 =	sshll.u32 s27, $0x1;
	_ =	strace $0x80000049;
	[dreg:$0x1] =	wrdreg $0xFFFFFFFF  }
0x2e: {  	s28 =	simm.s32 $_size_execute0_lowered;
	s3 =	sadd.s32 s3, s5;
	[dreg:$0x0] =	wrdreg $0x0  }
0x2f: {  	s5 =	sshll.u32 s28, $0x1;
	[dreg:$0x2] =	wrdreg s3  }
0x30: {  	[dreg:$0x3] =	wrdreg s5  }
0x31: {  	[dreg:$0x4] =	wrdreg $0xC0  }
0x32: {  	_ =	task [dreg:s23], $0x5FFFF  }
0x33: {  	[dreg:$0x1] =	wrdreg $0xFFFFFFFF  }
0x34: {  	[dreg:$0x0] =	wrdreg $0x60  }
0x35: {  	[dreg:$0x2] =	wrdreg s25  }
0x36: {  	[dreg:$0x3] =	wrdreg $0xA  }
0x37: {  	_ =	task.clear_ibuf [dreg:s23], $0x4FFFF;
	_ =	strace $0x90000049  }
0x38: {  	s29 =	simm.s32 $0xA;
	_ =	strace $0x8000004B  }
0x39: {  	_ =	swait.ge [sflag:s29], $0x1  }
0x3a: {  	[sflag:s29] =	ssyncadd.s32 $0xFFFFFFFF  }
0x3b: {  	_ =	strace $0x9000004B  }
0x3c: {  	_ =	sfence  }
0x3d: {  	s30 =	sld [smem:$0x0];
	_ =	sdelay $0x2  }
0x3e: {  	s31 =	sshll.u32 s1, $0xD;
	s1 =	sshrl.u32 s1, $0x2  }
0x3f: {  	s4 =	sand.u32 $0x4000, s31;
	s1 =	sadd.s32 s1, s30  }
0x40: {  	s0 =	sor.u32 s4, s0;
	s1 =	sshll.u32 s1, $0x11  }
0x41: {  	s0 =	sor.u32 s1, s0  }
0x42: {  	s0 =	sadd.s32 $0x8F2B, s0  }
0x43: {  	[sflag:s0] =	ssyncadd.remote.s32 $0x1  }
0x44: {  	_ =	sfence.sel $0xFFFF  }
0x45: {  	[dreg:$0x0] =	wrdreg $0xFFFFFFFF;
	(pc) =	sbr.abs _section_cstart, $3  }
0x46: {  	[dreg:$0x1] =	wrdreg $0xFFFFFFFF  }
0x47: {  	_ =	task.clear_ibuf [dreg:s23], $0x2FFFF;
	_ =	strace $0x9FFFFFFF  }
0x48: {  	(tm) =	ssettm $0x7FFFFFFF  }
0x49: {  	_ =	shalt  }
tec
execute0_lowered:
.L_overlay_start_1:
0x0: {  	(tag) =	ssettag $0x1  }
0x1: {  	s0 =	stileid.u32  }
0x2: {  	s8 =	rddreg [dreg:$0x0];
	s3 =	srdreg.scid  }
0x3: {  	s31 =	simm.s32 $0x2;
	s17 =	simm.s32 $0x0;
	s10 =	simm.s32 $0x2000  }
0x4: {  	s15 =	simm.s32 $0x0;
	s16 =	simm.s32 $0x0;
	s2 =	sshll.u32 s0, $0x6  }
0x5: {  	s14 =	simm.s32 $0x0;
	s1 =	sand.u32 $0x1, s0;
	s2 =	sand.u32 $0x380, s2  }
0x6: {  	s3 =	sshll.u32 s3, $0x7;
	s4 =	ssub.s32 $0x2, s1;
	s5 =	ssub.s32 $0x400, s2  }
0x7: {  	s3 =	sand.u32 $0x80, s3;
	s13 =	smov.u32 s1;
	s7 =	sand.u32 $0x380, s5  }
0x8: {  	s6 =	sshrl.u32 s4, $0x1;
	p0 =	sne.s32 s7, $0x0;
	s7 =	simm.s32 $0x1  }
0x9: {  	s4 =	sand.u32 $0x1, s4;
	s5 =	sshrl.u32 s5, $0xA;
	s7 =	simm.s32 @!p0 $0x0  }
0xa: {  	s9 =	ssub.s32 $0x1000, s3;
	s4 =	sadd.s32 s4, s6;
	s5 =	sadd.s32 s7, s5  }
0xb: {  	s11 =	smov.u32 s3;
	s28 =	sshrl.u32 s9, $0x7;
	s30 =	smul.u32 s4, s5  }
.Ltmp0:
0xc: {  	s29 =	sshrl.u32 s9, $0x8;
	s6 =	sand.u32 $0x1, s28;
	(pc) =	sbr.rel .LBB1_1-.Ltmp0, $4  }
0xd: {  	s12 =	smov.u32 s2;
	s6 =	sadd.s32 s29, s6;
	s4 =	rddreg [dreg:$0x1]  }
0xe: {  	_ =	strace $0x8000004A;
	s5 =	simm.s32 $0x1;
	s6 =	smul.u32 s6, s30  }
0xf: {  	p0 =	por $0x0, $0x0;
	s7 =	sadd.s32 $0x250600, s8;
	[sflag:s5] =	ssyncpa.u1 $0x0  }
0x10: {  	s8 =	sadd.s32 $0x350600, s8;
	[sflag:s31] =	ssyncpa.u1 $0x0;
	s9 =	sadd.s32 $0x1, s6  }
.LBB1_4:
0x11: {  	v5 =	vld [tilespmem:s21+$0xFFFFFFD0];
	[tilespmem:s20+$0x2040 ss:$0x81] =	vst.msk $0xffff, v1  }
0x12: {  	v58 =	vld [tilespmem:s21+$0xFFFFFFE0];
	[tilespmem:s20+$0x2850 ss:$0x81] =	vst.msk $0xffff, v2  }
0x13: {  	s22 =	sshra.s32 s22, $0x2;
	v59 =	vld [tilespmem:s21+$0xFFFFFFF0];
	[tilespmem:s20+$0x3060 ss:$0x81] =	vst.msk $0xffff, v3  }
0x14: {  	v60 =	vld [tilespmem:s21+$0x0];
	[tilespmem:s20+$0x0 ss:$0x81] =	vst.msk $0xffff, v0;
	s19 =	sadd.s32 s22, s19  }
0x15: {  	v61 =	vld [tilespmem:s21+$0x10];
	[tilespmem:s19+$0x3870 ss:$0x81] =	vst.msk $0xffff, v4  }
0x16: {  	v62 =	vld [tilespmem:s21+$0x20];
	s26 =	sshll.u32 s17, $0xA;
	s27 =	sshll.u32 s15, $0x3;
	[tilespmem:s19+$0x810 ss:$0x81] =	vst.msk $0xffff, v5  }
0x17: {  	v63 =	vld [tilespmem:s21+$0xFFFFFFC0];
	s29 =	sshll.u32 s17, $0x7;
	s30 =	sand.u32 $0x78, s15;
	s16 =	sshll.u32 s16, $0x13;
	[tilespmem:s19+$0x1020 ss:$0x81] =	vst.msk $0xffff, v58  }
0x18: {  	s20 =	sand.u32 $0x3FE000, s26;
	s28 =	sand.u32 $0x3FFC00, s27;
	s17 =	sand.u32 $0x380, s29;
	[tilespmem:s19+$0x1830 ss:$0x81] =	vst.msk $0xffff, v59  }
0x19: {  	s31 =	sand.u32 $0x7, s15;
	s20 =	sadd.s32 s28, s20;
	s17 =	sor.u32 s30, s17;
	[tilespmem:s19+$0x2040 ss:$0x81] =	vst.msk $0xffff, v60  }
0x1a: {  	s16 =	sadd.s32 s8, s16;
	s20 =	sshrl.u32 s20, $0x3;
	s17 =	sshrl.u32 s17, $0x3;
	[tilespmem:s19+$0x2850 ss:$0x81] =	vst.msk $0xffff, v61  }
0x1b: {  	s15 =	sshll.u32 s31, $0x12;
	s20 =	sand.u32 $0x7FF80, s20;
	s16 =	sadd.s32 s17, s16;
	[tilespmem:s19+$0x3060 ss:$0x81] =	vst.msk $0xffff, v62  }
0x1c: {  	s15 =	sor.u32 $0x400, s15;
	[tilespmem:s19+$0x0 ss:$0x81] =	vst.msk $0xffff, v63;
	s16 =	sadd.s32 s20, s16  }
0x1d: {  	[hbm4b:s16+s15] =	stream.strided.scatter [tilespmem:s18], [sflag:$0x2], $0x4000, s10, s15, $0x20;
	[tilespmem:$0x10100] =	vst v63  }
.LBB1_5:
0x1e: {  	s18 =	sadd.s32 $0x100, s11  }
0x1f: {  	s15 =	sadd.s32 $0x400, s12;
	s19 =	smov.u32 s12;
	p2 =	sgt.s32 s18, $0xFFF  }
0x20: {  	s19 =	smov.u32 @p2 s15  }
0x21: {  	s21 =	smov.u32 s13;
	s15 =	sadd.s32 $0x2, s13;
	p3 =	sgt.s32 s19, $0x3FF  }
0x22: {  	s21 =	smov.u32 @p3 s15  }
0x23: {  	s18 =	smov.u32 @p2 s3;
	p2 =	sgt.s32 s21, $0x1  }
0x24: {  	p1 =	slt.u32 s14, $0x2;
	s21 =	smov.u32 @p2 s1;
	p2 =	sne.s32 s14, s9  }
.Ltmp1:
0x25: {  	s20 =	simm.s32 @!p1 $0x2;
	(pc) =	sbr.rel @!p2 .LBB1_6-.Ltmp1, $4  }
0x26: {  	s17 =	smov.u32 s11;
	s16 =	smov.u32 s13;
	_ =	swait.ge @!p1 [sflag:s20], $0x4000  }
0x27: {  	p0 =	por !p0, !p0;
	[sflag:s20] =	ssyncset.done @!p1 $0x0;
	s11 =	smov.u32 s18  }
0x28: {  	s19 =	smov.u32 @p3 s2;
	s15 =	smov.u32 s12;
	[sflag:s20] =	ssyncadd.s32 @!p1 $0xFFFFC000  }
0x29: {  	s12 =	smov.u32 s19;
	s14 =	sadd.s32 $0x1, s14;
	s13 =	smov.u32 s21  }
.LBB1_1:
0x2a: {  	p1 =	sge.u32 s14, s6;
	s31 =	sadd.s32 $0xFFFFFFFF, s14  }
0x2b: {  	s18 =	sxor.u32 @!p1 $0xFFFFFFFF, s14;
	s19 =	sand.u32 @!p1 $0x78, s11;
	s20 =	sshll.u32 @!p1 s12, $0xC  }
0x2c: {  	s21 =	sshll.u32 @!p1 s12, $0x7;
	s22 =	sshll.u32 @!p1 s11, $0x3;
	s18 =	sshll.u32 @!p1 s18, $0xE  }
0x2d: {  	s20 =	sand.u32 @!p1 $0x3F8000, s20;
	s21 =	sand.u32 @!p1 $0x380, s21;
	s18 =	sand.u32 @!p1 $0x4000, s18  }
0x2e: {  	s20 =	sadd.s32 @!p1 s20, s22;
	s22 =	sand.u32 @!p1 $0xC00, s22;
	s19 =	sor.u32 @!p1 s21, s19  }
0x2f: {  	s21 =	sshll.u32 @!p1 s13, $0x13;
	s19 =	sor.u32 @!p1 s22, s19;
	s20 =	sshrl.u32 @!p1 s20, $0x3  }
0x30: {  	s21 =	sadd.s32 @!p1 s7, s21;
	s22 =	sand.u32 @!p1 $0x7, s11;
	s20 =	sand.u32 @!p1 $0x7FE00, s20  }
0x31: {  	s19 =	sshrl.u32 @!p1 s19, $0x3;
	s20 =	sadd.s32 @!p1 s20, s21;
	s21 =	sshll.u32 @!p1 s22, $0x12  }
0x32: {  	s19 =	sadd.s32 @!p1 s19, s20;
	s20 =	sor.u32 @!p1 $0x400, s21;
	s21 =	simm.s32 @!p1 $0x8000  }
0x33: {  	[tilespmem:s18], [sflag:$0x1] =	stream.strided.gather @!p1 [hbm4b:s19+s20], $0x4000, s21, s20, $0x38;
	[tilespmem:$0x10100] =	vst v63  }
0x34: {  	p1 =	sge.u32 s31, s6  }
.Ltmp2:
0x35: {  	_ = 	snop;
	(pc) =	sbr.rel @p1 .LBB1_5-.Ltmp2, $1  }
0x36: {  	_ =	sdelay $0x3  }
0x37: {  	s18 =	simm.s32 $0x1  }
0x38: {  	_ =	swait.ge [sflag:s5], $0x4000;
	s18 =	simm.s32 @!p0 $0x0  }
0x39: {  	[sflag:s5] =	ssyncset.done $0x0;
	s19 =	sshll.u32 s18, $0xE  }
0x3a: {  	[sflag:s5] =	ssyncadd.s32 $0xFFFFC000;
	s21 =	sor.u32 $0x40, s19  }
0x3b: {  	s18 =	smul.u32 $0x10200, s18;
	v0 =	vld [tilespmem:s21+$0x30]  }
0x3c: {  	v3 =	vld [tilespmem:s21+$0xFFFFFFD0]  }
0x3d: {  	s18 =	sshrl.u32 s18, $0x2;
	v4 =	vld [tilespmem:s21+$0xFFFFFFE0]  }
0x3e: {  	v5 =	vld [tilespmem:s21+$0xFFFFFFF0];
	s19 =	sor.u32 $0x8000, s18  }
0x3f: {  	s31 =	sand.u32 $0x1, s14;
	v1 =	vld [tilespmem:s21+$0x0];
	s20 =	sadd.s32 $0x0, s19  }
0x40: {  	v2 =	vld [tilespmem:s21+$0x10];
	s18 =	smul.u32 $0x10200, s31;
	[tilespmem:s20+$0x3870 ss:$0x81] =	vst.msk $0xffff, v0  }
0x41: {  	[tilespmem:s20+$0x810 ss:$0x81] =	vst.msk $0xffff, v3;
	v3 =	vld [tilespmem:s21+$0x20]  }
0x42: {  	s18 =	sshrl.u32 s18, $0x2;
	v0 =	vld [tilespmem:s21+$0xFFFFFFC0];
	[tilespmem:s20+$0x1020 ss:$0x81] =	vst.msk $0xffff, v4;
	s21 =	sadd.s32 $0x80, s21  }
0x43: {  	s22 =	simm.s32 $0x4;
	s23 =	simm.s32 $0x8;
	s18 =	sor.u32 $0x8000, s18;
	[tilespmem:s20+$0x1830 ss:$0x81] =	vst.msk $0xffff, v5;
	v4 =	vld [tilespmem:s21+$0x30]  }
.LBB1_3:
0x44: {  	p1 =	sne.s32 s23, $0x1FC;
	v5 =	vld [tilespmem:s21+$0xFFFFFFD0];
	[tilespmem:s20+$0x2040 ss:$0x81] =	vst.msk $0xffff, v1  }
0x45: {  	v6 =	vld [tilespmem:s21+$0xFFFFFFE0];
	[tilespmem:s20+$0x2850 ss:$0x81] =	vst.msk $0xffff, v2  }
0x46: {  	s24 =	sshra.s32 s22, $0x2;
	s22 =	smov.u32 s23;
	v7 =	vld [tilespmem:s21+$0xFFFFFFF0];
	[tilespmem:s20+$0x3060 ss:$0x81] =	vst.msk $0xffff, v3  }
.Ltmp3:
0x47: {  	v1 =	vld [tilespmem:s21+$0x0];
	[tilespmem:s20+$0x0 ss:$0x81] =	vst.msk $0xffff, v0;
	s20 =	sadd.s32 s24, s19;
	(pc) =	sbr.rel @p1 .LBB1_3-.Ltmp3, $4  }
0x48: {  	v2 =	vld [tilespmem:s21+$0x10];
	[tilespmem:s20+$0x3870 ss:$0x81] =	vst.msk $0xffff, v4  }
0x49: {  	[tilespmem:s20+$0x810 ss:$0x81] =	vst.msk $0xffff, v5;
	v3 =	vld [tilespmem:s21+$0x20]  }
0x4a: {  	v0 =	vld [tilespmem:s21+$0xFFFFFFC0];
	[tilespmem:s20+$0x1020 ss:$0x81] =	vst.msk $0xffff, v6;
	s21 =	sadd.s32 $0x80, s21  }
0x4b: {  	s23 =	sadd.s32 $0x4, s23;
	v4 =	vld [tilespmem:s21+$0x30];
	[tilespmem:s20+$0x1830 ss:$0x81] =	vst.msk $0xffff, v7  }
.Ltmp4:
0x4c: {  	_ = 	snop;
	(pc) =	sbr.rel .LBB1_4-.Ltmp4, $1  }
0x4d: {  	_ =	sdelay $0x3  }
.LBB1_6:
0x4e: {  	_ =	sfence.sel $0x180000  }
0x4f: {  	s1 =	simm.s32 $0x1;
	[bflag:$0x0] =	sbarrier.arrive $0xFFFF  }
0x50: {  	s31 =	simm.s32 $0x2;
	[sflag:s1] =	ssyncpa.u1 $0x1  }
0x51: {  	[sflag:s31] =	ssyncpa.u1 $0x1  }
0x52: {  	p0 =	sne.s32 s0, $0x0;
	_ =	strace $0x9000004A  }
0x53: {  	s0 =	sadd.s32 @!p0 $0x100000, s4;
	[bflag:$0x2] =	sbarrier.arrive $0xFFFF  }
0x54: {  	[sflag:s0] =	ssyncadd.tile.s32 @!p0 $0x1;
	_ =	shalt  }
.Lfunc_end1:
_tile_overlayer_lowered:
.L_overlay_start_2:
0x55: {  	(tag) =	ssettag $0x2  }
0x56: {  	s0 =	rddreg [dreg:$0x0];
	s2 =	stileid.u32  }
0x57: {  	s1 =	rddreg [dreg:$0x1];
	p0 =	sne.s32 s2, $0x0  }
0x58: {  	s3 =	rddreg [dreg:$0x2];
	[bflag:$0x3] =	sbarrier.arrive $0xFFFF;
	s2 =	simm.s32 @!p0 $0x1C01  }
0x59: {  	[timem:s3], [sflag:s2] =	dma.local @!p0 [hbm:s0], s1  }
0x5a: {  	s0 =	simm.s32 @!p0 $0x1  }
0x5b: {  	_ =	swait.ge @!p0 [sflag:s0], s1  }
0x5c: {  	s1 =	ssub.s32 @!p0 $0x0, s1;
	[sflag:s0] =	ssyncset.done @!p0 $0x0  }
0x5d: {  	[sflag:s0] =	ssyncadd.s32 @!p0 s1  }
0x5e: {  	[bflag:$0x3] =	sbarrier.arrive $0xFFFF  }
0x5f: {  	_ =	shalt  }

// kernel: sparse-core-data-format-call.2.cloned.1.call-start
scs
called_computation.2_lowered:
.L_overlay_start_0:
0x0: {  	s1 =	sld [smem:$0x3FD9]  }
0x1: {  	s2 =	sld [smem:$0x3FFE];
	_ =	sdelay $0x1  }
0x2: {  	s3 =	srdreg.scid  }
0x3: {  	s0 =	sand.u32 $0x1, s3  }
0x4: {  	s17 =	sshll.u32 s0, $0xA;
	s1 =	sadd.s32 s2, s1  }
0x5: {  	s1 =	sadd.s32 s1, s17  }
0x6: {  	[smem:$0x3F6E] =	sst s1  }
0x7: {  	_ = 	snop  }
0x8: {  	(tm) =	ssettm $0x1  }
0x9: {  	s18 =	sld [smem:$0x3FFB];
	_ =	sdelay $0x3  }
0xa: {  	_ =	strace s18  }
0xb: {  	s1 =	sld [smem:$0x3FFC];
	_ =	sdelay $0x3  }
0xc: {  	_ =	strace s1  }
0xd: {  	s1 =	sld [smem:$0x3FFD];
	_ =	sdelay $0x3  }
0xe: {  	_ =	strace s1  }
0xf: {  	_ =	strace $0x8FFFFFFF  }
0x10: {  	s19 =	sld [smem:$0x3FDB];
	_ =	sdelay $0x1  }
0x11: {  	s20 =	simm.s32 $_scs_section_size  }
0x12: {  	s4 =	simm.s32 $_size__tile_overlayer_lowered;
	s5 =	simm.s32 $_tile_overlayer_lowered  }
0x13: {  	s23 =	simm.s32 $0x1BFF;
	s22 =	sshll.u32 s5, $0x1;
	s1 =	sadd.s32 s20, s19  }
0x14: {  	s6 =	simm.s32 $0x0;
	s21 =	sshll.u32 s4, $0x1;
	s4 =	sadd.s32 s22, s1  }
0x15: {  	[timem:s6], [sflag:s23] =	dma.local [hbm:s4], s21  }
0x16: {  	_ =	swait.ge [sflag:s23], s21  }
0x17: {  	s2 =	ssub.s32 $0x0, s21;
	[sflag:s23] =	ssyncset.done $0x0  }
0x18: {  	[sflag:s23] =	ssyncadd.s32 s2;
	_ =	sdelay $0x1  }
0x19: {  	s24 =	simm.s32 $0x1B8B  }
0x1a: {  	_ =	swait.ge [sflag:s24], $0x1  }
0x1b: {  	[sflag:s24] =	ssyncset.done $0x0  }
0x1c: {  	s26 =	simm.s32 $0x1B8E;
	s25 =	sld [smem:$0x3FFE];
	[sflag:s24] =	ssyncadd.s32 $0xFFFFFFFF  }
0x1d: {  	s27 =	simm.s32 $execute0_lowered;
	[smem:$0x3FD2] =	sst s26  }
0x1e: {  	s4 =	sshll.u32 s27, $0x1;
	_ =	strace $0x80000046;
	[dreg:$0x1] =	wrdreg $0xFFFFFFFF  }
0x1f: {  	s28 =	simm.s32 $_size_execute0_lowered;
	s1 =	sadd.s32 s1, s4;
	[dreg:$0x0] =	wrdreg $0x0  }
0x20: {  	s4 =	sshll.u32 s28, $0x1;
	[dreg:$0x2] =	wrdreg s1  }
0x21: {  	[dreg:$0x3] =	wrdreg s4  }
0x22: {  	[dreg:$0x4] =	wrdreg $0xC0  }
0x23: {  	_ =	task [dreg:s6], $0x5FFFF  }
0x24: {  	[dreg:$0x1] =	wrdreg $0xFFFFFFFF  }
0x25: {  	[dreg:$0x0] =	wrdreg $0x60  }
0x26: {  	[dreg:$0x2] =	wrdreg s25  }
0x27: {  	[dreg:$0x3] =	wrdreg $0xB  }
0x28: {  	_ =	task.clear_ibuf [dreg:s6], $0x4FFFF;
	_ =	strace $0x90000046  }
0x29: {  	s29 =	simm.s32 $0xB;
	_ =	strace $0x80000048  }
0x2a: {  	_ =	swait.ge [sflag:s29], $0x1  }
0x2b: {  	[sflag:s29] =	ssyncadd.s32 $0xFFFFFFFF  }
0x2c: {  	_ =	strace $0x90000048  }
0x2d: {  	_ =	sfence  }
0x2e: {  	s30 =	sld [smem:$0x0];
	_ =	sdelay $0x2  }
0x2f: {  	s31 =	sshll.u32 s3, $0xD;
	s3 =	sshrl.u32 s3, $0x2  }
0x30: {  	s2 =	sand.u32 $0x4000, s31;
	s1 =	sadd.s32 s3, s30  }
0x31: {  	s0 =	sor.u32 s2, s0;
	s1 =	sshll.u32 s1, $0x11  }
0x32: {  	s0 =	sor.u32 s1, s0  }
0x33: {  	s0 =	sadd.s32 $0x8F2B, s0  }
0x34: {  	[sflag:s0] =	ssyncadd.remote.s32 $0x1  }
0x35: {  	_ =	sfence.sel $0xFFFF  }
0x36: {  	[dreg:$0x0] =	wrdreg $0xFFFFFFFF;
	(pc) =	sbr.abs _section_cstart, $3  }
0x37: {  	[dreg:$0x1] =	wrdreg $0xFFFFFFFF  }
0x38: {  	_ =	task.clear_ibuf [dreg:s6], $0x2FFFF;
	_ =	strace $0x9FFFFFFF  }
0x39: {  	(tm) =	ssettm $0x7FFFFFFF  }
tec
execute0_lowered:
.L_overlay_start_1:
0x0: {  	(tag) =	ssettag $0x1  }
0x1: {  	s0 =	stileid.u32  }
0x2: {  	s1 =	srdreg.scid;
	s5 =	rddreg [dreg:$0x0];
	s31 =	simm.s32 $0x2  }
0x3: {  	s16 =	simm.s32 $0x0;
	s2 =	sshll.u32 s0, $0x6;
	s1 =	sshll.u32 s1, $0xA  }
0x4: {  	s9 =	simm.s32 $0x8000;
	s14 =	simm.s32 $0x0;
	s1 =	sor.u32 s2, s1  }
0x5: {  	s15 =	simm.s32 $0x0;
	s10 =	simm.s32 $0x0;
	s1 =	sand.u32 $0x780, s1  }
0x6: {  	s13 =	simm.s32 $0x0;
	s2 =	sand.u32 $0x1, s0;
	s3 =	ssub.s32 $0x1000, s1  }
0x7: {  	s4 =	ssub.s32 $0x2, s2;
	s12 =	smov.u32 s2;
	s6 =	sand.u32 $0x780, s3  }
0x8: {  	s7 =	sshrl.u32 s4, $0x1;
	p0 =	sne.s32 s6, $0x0;
	s6 =	simm.s32 $0x1  }
0x9: {  	s4 =	sand.u32 $0x1, s4;
	s8 =	sshrl.u32 s3, $0xB;
	s6 =	simm.s32 @!p0 $0x0  }
.Ltmp0:
0xa: {  	s4 =	sadd.s32 s4, s7;
	s6 =	sadd.s32 s6, s8;
	(pc) =	sbr.rel .LBB1_1-.Ltmp0, $4  }
0xb: {  	s11 =	smov.u32 s1;
	s3 =	rddreg [dreg:$0x1];
	s7 =	smul.u32 s6, s4  }
0xc: {  	_ =	strace $0x80000047;
	p0 =	por $0x0, $0x0;
	s6 =	simm.s32 $0x1  }
0xd: {  	s4 =	sadd.s32 $0x28400, s5;
	[sflag:s6] =	ssyncpa.u1 $0x0;
	s7 =	sshll.u32 s7, $0x3  }
0xe: {  	s5 =	sadd.s32 $0x128400, s5;
	[sflag:s31] =	ssyncpa.u1 $0x0;
	s8 =	sor.u32 $0x1, s7  }
.LBB1_4:
0xf: {  	v5 =	vld [tilespmem:s19+$0xFFFFFFD0]  }
0x10: {  	[tilespmem:s20+$0x2040 ss:$0x81] =	vst.msk $0xffff, v1;
	v58 =	vld [tilespmem:s19+$0xFFFFFFE0]  }
0x11: {  	[tilespmem:s20+$0x2850 ss:$0x81] =	vst.msk $0xffff, v2;
	v59 =	vld [tilespmem:s19+$0xFFFFFFF0]  }
0x12: {  	s21 =	sshra.s32 s21, $0x2;
	[tilespmem:s20+$0x3060 ss:$0x81] =	vst.msk $0xffff, v3;
	v60 =	vld [tilespmem:s19+$0x0]  }
0x13: {  	[tilespmem:s20+$0x0 ss:$0x81] =	vst.msk $0xffff, v0;
	v61 =	vld [tilespmem:s19+$0x10];
	s18 =	sadd.s32 s21, s18  }
0x14: {  	s26 =	sshll.u32 s16, $0xC;
	v62 =	vld [tilespmem:s19+$0x20];
	[tilespmem:s18+$0x3870 ss:$0x81] =	vst.msk $0xffff, v4  }
0x15: {  	s27 =	sand.u32 $0x78, s14;
	s22 =	sshll.u32 s14, $0x3;
	v63 =	vld [tilespmem:s19+$0xFFFFFFC0];
	s29 =	sshll.u32 s16, $0x7;
	[tilespmem:s18+$0x810 ss:$0x81] =	vst.msk $0xffff, v5  }
0x16: {  	s15 =	sshll.u32 s15, $0x13;
	s20 =	sand.u32 $0x3F8000, s26;
	s28 =	sand.u32 $0x3FFC00, s22;
	[tilespmem:s18+$0x1020 ss:$0x81] =	vst.msk $0xffff, v58  }
0x17: {  	s31 =	sand.u32 $0x7, s14;
	s22 =	sand.u32 $0xC00, s22;
	s19 =	sadd.s32 s28, s20;
	[tilespmem:s18+$0x1830 ss:$0x81] =	vst.msk $0xffff, v59  }
0x18: {  	s16 =	sand.u32 $0x380, s29;
	s30 =	sor.u32 s27, s22;
	s19 =	sshrl.u32 s19, $0x3;
	[tilespmem:s18+$0x2040 ss:$0x81] =	vst.msk $0xffff, v60  }
0x19: {  	s15 =	sadd.s32 s5, s15;
	s16 =	sor.u32 s16, s30;
	s19 =	sand.u32 $0x7FE00, s19;
	[tilespmem:s18+$0x2850 ss:$0x81] =	vst.msk $0xffff, v61  }
0x1a: {  	s14 =	sshll.u32 s31, $0x12;
	s16 =	sshrl.u32 s16, $0x3;
	[tilespmem:s18+$0x3060 ss:$0x81] =	vst.msk $0xffff, v62;
	s15 =	sadd.s32 s19, s15  }
0x1b: {  	s14 =	sor.u32 $0x400, s14;
	[tilespmem:s18+$0x0 ss:$0x81] =	vst.msk $0xffff, v63;
	s15 =	sadd.s32 s16, s15  }
0x1c: {  	[hbm4b:s15+s14] =	stream.strided.scatter [tilespmem:s17], [sflag:$0x2], $0x4000, s9, s14, $0x20;
	[tilespmem:$0x10100] =	vst v63  }
.LBB1_5:
0x1d: {  	s17 =	sadd.s32 $0x80, s10  }
0x1e: {  	s14 =	sadd.s32 $0x800, s11;
	s18 =	smov.u32 s11;
	p2 =	sgt.s32 s17, $0x3FF  }
0x1f: {  	s18 =	smov.u32 @p2 s14  }
0x20: {  	s20 =	smov.u32 s12;
	s14 =	sadd.s32 $0x2, s12;
	p3 =	sgt.s32 s18, $0xFFF  }
0x21: {  	s20 =	smov.u32 @p3 s14  }
0x22: {  	s17 =	simm.s32 @p2 $0x0;
	p2 =	sgt.s32 s20, $0x1  }
0x23: {  	p1 =	slt.u32 s13, $0x2;
	s20 =	smov.u32 @p2 s2;
	p2 =	sne.s32 s13, s8  }
.Ltmp1:
0x24: {  	s19 =	simm.s32 @!p1 $0x2;
	(pc) =	sbr.rel @!p2 .LBB1_6-.Ltmp1, $4  }
0x25: {  	s16 =	smov.u32 s10;
	s15 =	smov.u32 s12;
	_ =	swait.ge @!p1 [sflag:s19], $0x4000  }
0x26: {  	p0 =	por !p0, !p0;
	[sflag:s19] =	ssyncset.done @!p1 $0x0;
	s10 =	smov.u32 s17  }
0x27: {  	s18 =	smov.u32 @p3 s1;
	s14 =	smov.u32 s11;
	[sflag:s19] =	ssyncadd.s32 @!p1 $0xFFFFC000  }
0x28: {  	s11 =	smov.u32 s18;
	s13 =	sadd.s32 $0x1, s13;
	s12 =	smov.u32 s20  }
.LBB1_1:
0x29: {  	p1 =	sge.u32 s13, s7  }
0x2a: {  	s31 =	sadd.s32 $0xFFFFFFFF, s13;
	s17 =	sshll.u32 @!p1 s11, $0x7  }
0x2b: {  	s18 =	sxor.u32 @!p1 $0xFFFFFFFF, s13;
	s19 =	sand.u32 @!p1 $0x78, s10;
	s20 =	sand.u32 @!p1 $0x380, s17  }
0x2c: {  	s18 =	sshll.u32 @!p1 s18, $0xE;
	s19 =	sor.u32 @!p1 s19, s20;
	s20 =	sshll.u32 @!p1 s12, $0x13  }
0x2d: {  	s17 =	sand.u32 @!p1 $0x7FC00, s17;
	s19 =	sshrl.u32 @!p1 s19, $0x3;
	s20 =	sadd.s32 @!p1 s4, s20  }
0x2e: {  	s17 =	sadd.s32 @!p1 s10, s17;
	s19 =	sadd.s32 @!p1 s19, s20;
	s20 =	sand.u32 @!p1 $0x7, s10  }
0x2f: {  	s18 =	sand.u32 @!p1 $0x4000, s18;
	s17 =	sand.u32 @!p1 $0x7FF80, s17;
	s20 =	sshll.u32 @!p1 s20, $0x12  }
0x30: {  	s17 =	sadd.s32 @!p1 s17, s19;
	s19 =	sor.u32 @!p1 $0x400, s20;
	s20 =	simm.s32 @!p1 $0x2000  }
0x31: {  	[tilespmem:s18], [sflag:$0x1] =	stream.strided.gather @!p1 [hbm4b:s17+s19], $0x4000, s20, s19, $0x38;
	[tilespmem:$0x10100] =	vst v63  }
0x32: {  	p1 =	sge.u32 s31, s7  }
.Ltmp2:
0x33: {  	_ = 	snop;
	(pc) =	sbr.rel @p1 .LBB1_5-.Ltmp2, $1  }
0x34: {  	_ =	sdelay $0x3  }
0x35: {  	s17 =	simm.s32 $0x1  }
0x36: {  	_ =	swait.ge [sflag:s6], $0x4000;
	s17 =	simm.s32 @!p0 $0x0  }
0x37: {  	[sflag:s6] =	ssyncset.done $0x0;
	s18 =	sshll.u32 s17, $0xE  }
0x38: {  	[sflag:s6] =	ssyncadd.s32 $0xFFFFC000;
	s19 =	sor.u32 $0x40, s18  }
0x39: {  	s17 =	smul.u32 $0x10200, s17;
	v0 =	vld [tilespmem:s19+$0x30]  }
0x3a: {  	v3 =	vld [tilespmem:s19+$0xFFFFFFD0]  }
0x3b: {  	s17 =	sshrl.u32 s17, $0x2;
	v4 =	vld [tilespmem:s19+$0xFFFFFFE0]  }
0x3c: {  	v5 =	vld [tilespmem:s19+$0xFFFFFFF0];
	s18 =	sor.u32 $0x8000, s17  }
0x3d: {  	s31 =	sand.u32 $0x1, s13;
	v1 =	vld [tilespmem:s19+$0x0];
	s20 =	sadd.s32 $0x0, s18  }
0x3e: {  	v2 =	vld [tilespmem:s19+$0x10];
	s17 =	smul.u32 $0x10200, s31;
	[tilespmem:s20+$0x3870 ss:$0x81] =	vst.msk $0xffff, v0  }
0x3f: {  	[tilespmem:s20+$0x810 ss:$0x81] =	vst.msk $0xffff, v3;
	v3 =	vld [tilespmem:s19+$0x20]  }
0x40: {  	s17 =	sshrl.u32 s17, $0x2;
	v0 =	vld [tilespmem:s19+$0xFFFFFFC0];
	[tilespmem:s20+$0x1020 ss:$0x81] =	vst.msk $0xffff, v4;
	s19 =	sadd.s32 $0x80, s19  }
0x41: {  	s21 =	simm.s32 $0x4;
	s22 =	simm.s32 $0x8;
	s17 =	sor.u32 $0x8000, s17;
	[tilespmem:s20+$0x1830 ss:$0x81] =	vst.msk $0xffff, v5;
	v4 =	vld [tilespmem:s19+$0x30]  }
.LBB1_3:
0x42: {  	p1 =	sne.s32 s22, $0x1FC;
	v5 =	vld [tilespmem:s19+$0xFFFFFFD0];
	[tilespmem:s20+$0x2040 ss:$0x81] =	vst.msk $0xffff, v1  }
0x43: {  	v6 =	vld [tilespmem:s19+$0xFFFFFFE0];
	[tilespmem:s20+$0x2850 ss:$0x81] =	vst.msk $0xffff, v2  }
0x44: {  	s23 =	sshra.s32 s21, $0x2;
	s21 =	smov.u32 s22;
	v7 =	vld [tilespmem:s19+$0xFFFFFFF0];
	[tilespmem:s20+$0x3060 ss:$0x81] =	vst.msk $0xffff, v3  }
.Ltmp3:
0x45: {  	v1 =	vld [tilespmem:s19+$0x0];
	[tilespmem:s20+$0x0 ss:$0x81] =	vst.msk $0xffff, v0;
	s20 =	sadd.s32 s23, s18;
	(pc) =	sbr.rel @p1 .LBB1_3-.Ltmp3, $4  }
0x46: {  	v2 =	vld [tilespmem:s19+$0x10];
	[tilespmem:s20+$0x3870 ss:$0x81] =	vst.msk $0xffff, v4  }
0x47: {  	[tilespmem:s20+$0x810 ss:$0x81] =	vst.msk $0xffff, v5;
	v3 =	vld [tilespmem:s19+$0x20]  }
0x48: {  	v0 =	vld [tilespmem:s19+$0xFFFFFFC0];
	[tilespmem:s20+$0x1020 ss:$0x81] =	vst.msk $0xffff, v6;
	s19 =	sadd.s32 $0x80, s19  }
0x49: {  	s22 =	sadd.s32 $0x4, s22;
	v4 =	vld [tilespmem:s19+$0x30];
	[tilespmem:s20+$0x1830 ss:$0x81] =	vst.msk $0xffff, v7  }
.Ltmp4:
0x4a: {  	_ = 	snop;
	(pc) =	sbr.rel .LBB1_4-.Ltmp4, $1  }
0x4b: {  	_ =	sdelay $0x3  }
.LBB1_6:
0x4c: {  	_ =	sfence.sel $0x180000  }
0x4d: {  	s1 =	simm.s32 $0x1;
	[bflag:$0x0] =	sbarrier.arrive $0xFFFF  }
0x4e: {  	s31 =	simm.s32 $0x2;
	[sflag:s1] =	ssyncpa.u1 $0x1  }
0x4f: {  	[sflag:s31] =	ssyncpa.u1 $0x1  }
0x50: {  	p0 =	sne.s32 s0, $0x0;
	_ =	strace $0x90000047  }
0x51: {  	s0 =	sadd.s32 @!p0 $0x100000, s3;
	[bflag:$0x2] =	sbarrier.arrive $0xFFFF  }
0x52: {  	[sflag:s0] =	ssyncadd.tile.s32 @!p0 $0x1;
	_ =	shalt  }
.Lfunc_end1:
_tile_overlayer_lowered:
.L_overlay_start_2:
0x53: {  	(tag) =	ssettag $0x2  }
0x54: {  	s0 =	rddreg [dreg:$0x0];
	s2 =	stileid.u32  }
0x55: {  	s1 =	rddreg [dreg:$0x1];
	p0 =	sne.s32 s2, $0x0  }
0x56: {  	s3 =	rddreg [dreg:$0x2];
	[bflag:$0x3] =	sbarrier.arrive $0xFFFF;
	s2 =	simm.s32 @!p0 $0x1C01  }
0x57: {  	[timem:s3], [sflag:s2] =	dma.local @!p0 [hbm:s0], s1  }
0x58: {  	s0 =	simm.s32 @!p0 $0x1  }
0x59: {  	_ =	swait.ge @!p0 [sflag:s0], s1  }
0x5a: {  	s1 =	ssub.s32 @!p0 $0x0, s1;
	[sflag:s0] =	ssyncset.done @!p0 $0x0  }
0x5b: {  	[sflag:s0] =	ssyncadd.s32 @!p0 s1  }
0x5c: {  	[bflag:$0x3] =	sbarrier.arrive $0xFFFF  }
0x5d: {  	_ =	shalt  }

// kernel: sparse-core-data-format-call.3.cloned.1.call-start
scs
called_computation.3_lowered:
.L_overlay_start_0:
0x0: {  	s2 =	sld [smem:$0x3FD9]  }
0x1: {  	s3 =	sld [smem:$0x3FFE];
	_ =	sdelay $0x1  }
0x2: {  	s1 =	srdreg.scid  }
0x3: {  	s0 =	sand.u32 $0x1, s1  }
0x4: {  	s18 =	sshll.u32 s0, $0xA;
	s2 =	sadd.s32 s3, s2  }
0x5: {  	s2 =	sadd.s32 s2, s18  }
0x6: {  	[smem:$0x3F6E] =	sst s2  }
0x7: {  	_ = 	snop  }
0x8: {  	(tm) =	ssettm $0x1  }
0x9: {  	s19 =	sld [smem:$0x3FFB];
	_ =	sdelay $0x3  }
0xa: {  	_ =	strace s19  }
0xb: {  	s2 =	sld [smem:$0x3FFC];
	_ =	sdelay $0x3  }
0xc: {  	_ =	strace s2  }
0xd: {  	s2 =	sld [smem:$0x3FFD];
	_ =	sdelay $0x3  }
0xe: {  	_ =	strace s2  }
0xf: {  	_ =	strace $0x8FFFFFFF  }
0x10: {  	s20 =	sld [smem:$0x3FDB];
	_ =	sdelay $0x1  }
0x11: {  	s21 =	simm.s32 $_scs_section_size  }
0x12: {  	s4 =	simm.s32 $_size__tile_overlayer_lowered;
	s5 =	simm.s32 $_tile_overlayer_lowered  }
0x13: {  	s6 =	simm.s32 $0x1BFF;
	s22 =	sshll.u32 s5, $0x1;
	s3 =	sadd.s32 s21, s20  }
0x14: {  	s23 =	simm.s32 $0x0;
	s4 =	sshll.u32 s4, $0x1;
	s5 =	sadd.s32 s22, s3  }
0x15: {  	[timem:s23], [sflag:s6] =	dma.local [hbm:s5], s4  }
0x16: {  	_ =	swait.ge [sflag:s6], s4  }
0x17: {  	s4 =	ssub.s32 $0x0, s4;
	[sflag:s6] =	ssyncset.done $0x0  }
0x18: {  	[sflag:s6] =	ssyncadd.s32 s4;
	_ =	sdelay $0x1  }
0x19: {  	s24 =	simm.s32 $0x1B8B  }
0x1a: {  	_ =	swait.ge [sflag:s24], $0x1  }
0x1b: {  	[sflag:s24] =	ssyncset.done $0x0  }
0x1c: {  	[sflag:s24] =	ssyncadd.s32 $0xFFFFFFFF  }
0x1d: {  	s4 =	sld [smem:$0x0]  }
0x1e: {  	s5 =	sand.u32 $0xFFFFFFFE, s1  }
0x1f: {  	p0 =	sne.s32 s1, s5  }
0x20: {  	s5 =	sshll.u32 @p0 s5, $0xE  }
0x21: {  	s5 =	sadd.s32 @p0 $0x11B8D, s5;
	s6 =	sshll.u32 @p0 s4, $0x11  }
0x22: {  	s5 =	sor.u32 @p0 s6, s5  }
0x23: {  	[sflag:s5] =	ssyncadd.remote.s32 @p0 $0x1;
	_ =	sdelay $0x1  }
0x24: {  	s5 =	simm.s32 @p0 $0x1B8D  }
0x25: {  	_ =	swait.eq @p0 [sflag:s5], $0x1  }
0x26: {  	[sflag:s5] =	ssyncadd.s32 @p0 $0xFFFFFFFF  }
0x27: {  	s6 =	sshll.u32 @!p0 s1, $0xE  }
0x28: {  	s6 =	sor.u32 @!p0 $0x4000, s6;
	s5 =	simm.s32 @!p0 $0x1B8D  }
0x29: {  	s4 =	sshll.u32 @!p0 s4, $0x11;
	s6 =	sadd.s32 @!p0 $0x11B8D, s6;
	_ =	swait.eq @!p0 [sflag:s5], $0x1  }
0x2a: {  	s4 =	sor.u32 @!p0 s4, s6;
	[sflag:s5] =	ssyncadd.s32 @!p0 $0xFFFFFFFF  }
0x2b: {  	s26 =	simm.s32 $0x1B8E;
	s25 =	sld [smem:$0x3FFE];
	[sflag:s4] =	ssyncadd.remote.s32 @!p0 $0x1  }
0x2c: {  	s27 =	simm.s32 $execute0_lowered;
	[smem:$0x3FD2] =	sst s26  }
0x2d: {  	s5 =	sshll.u32 s27, $0x1;
	_ =	strace $0x8000004F;
	[dreg:$0x1] =	wrdreg $0xFFFFFFFF  }
0x2e: {  	s28 =	simm.s32 $_size_execute0_lowered;
	s3 =	sadd.s32 s3, s5;
	[dreg:$0x0] =	wrdreg $0x0  }
0x2f: {  	s5 =	sshll.u32 s28, $0x1;
	[dreg:$0x2] =	wrdreg s3  }
0x30: {  	[dreg:$0x3] =	wrdreg s5  }
0x31: {  	[dreg:$0x4] =	wrdreg $0xC0  }
0x32: {  	_ =	task [dreg:s23], $0x5FFFF  }
0x33: {  	[dreg:$0x1] =	wrdreg $0xFFFFFFFF  }
0x34: {  	[dreg:$0x0] =	wrdreg $0x60  }
0x35: {  	[dreg:$0x2] =	wrdreg s25  }
0x36: {  	[dreg:$0x3] =	wrdreg $0xC  }
0x37: {  	_ =	task.clear_ibuf [dreg:s23], $0x4FFFF;
	_ =	strace $0x9000004F  }
0x38: {  	s29 =	simm.s32 $0xC;
	_ =	strace $0x80000051  }
0x39: {  	_ =	swait.ge [sflag:s29], $0x1  }
0x3a: {  	[sflag:s29] =	ssyncadd.s32 $0xFFFFFFFF  }
0x3b: {  	_ =	strace $0x90000051  }
0x3c: {  	_ =	sfence  }
0x3d: {  	s30 =	sld [smem:$0x0];
	_ =	sdelay $0x2  }
0x3e: {  	s31 =	sshll.u32 s1, $0xD;
	s1 =	sshrl.u32 s1, $0x2  }
0x3f: {  	s4 =	sand.u32 $0x4000, s31;
	s1 =	sadd.s32 s1, s30  }
0x40: {  	s0 =	sor.u32 s4, s0;
	s1 =	sshll.u32 s1, $0x11  }
0x41: {  	s0 =	sor.u32 s1, s0  }
0x42: {  	s0 =	sadd.s32 $0x8F2B, s0  }
0x43: {  	[sflag:s0] =	ssyncadd.remote.s32 $0x1  }
0x44: {  	_ =	sfence.sel $0xFFFF  }
0x45: {  	[dreg:$0x0] =	wrdreg $0xFFFFFFFF;
	(pc) =	sbr.abs _section_cstart, $3  }
0x46: {  	[dreg:$0x1] =	wrdreg $0xFFFFFFFF  }
0x47: {  	_ =	task.clear_ibuf [dreg:s23], $0x2FFFF;
	_ =	strace $0x9FFFFFFF  }
0x48: {  	(tm) =	ssettm $0x7FFFFFFF  }
0x49: {  	_ =	shalt  }
tec
execute0_lowered:
.L_overlay_start_1:
0x0: {  	(tag) =	ssettag $0x1  }
0x1: {  	s0 =	stileid.u32  }
0x2: {  	s1 =	srdreg.scid;
	s5 =	rddreg [dreg:$0x0];
	s31 =	simm.s32 $0x2  }
0x3: {  	s16 =	simm.s32 $0x0;
	s2 =	sshll.u32 s0, $0x6;
	s1 =	sshll.u32 s1, $0xA  }
0x4: {  	s9 =	simm.s32 $0x8000;
	s14 =	simm.s32 $0x0;
	s1 =	sor.u32 s2, s1  }
0x5: {  	s15 =	simm.s32 $0x0;
	s10 =	simm.s32 $0x0;
	s1 =	sand.u32 $0x780, s1  }
0x6: {  	s13 =	simm.s32 $0x0;
	s2 =	sand.u32 $0x1, s0;
	s3 =	ssub.s32 $0x1000, s1  }
0x7: {  	s4 =	ssub.s32 $0x2, s2;
	s12 =	smov.u32 s2;
	s6 =	sand.u32 $0x780, s3  }
0x8: {  	s7 =	sshrl.u32 s4, $0x1;
	p0 =	sne.s32 s6, $0x0;
	s6 =	simm.s32 $0x1  }
0x9: {  	s4 =	sand.u32 $0x1, s4;
	s8 =	sshrl.u32 s3, $0xB;
	s6 =	simm.s32 @!p0 $0x0  }
.Ltmp0:
0xa: {  	s4 =	sadd.s32 s4, s7;
	s6 =	sadd.s32 s6, s8;
	(pc) =	sbr.rel .LBB1_1-.Ltmp0, $4  }
0xb: {  	s11 =	smov.u32 s1;
	s3 =	rddreg [dreg:$0x1];
	s7 =	smul.u32 s6, s4  }
0xc: {  	_ =	strace $0x80000050;
	p0 =	por $0x0, $0x0;
	s6 =	simm.s32 $0x1  }
0xd: {  	s4 =	sadd.s32 $0x690600, s5;
	[sflag:s6] =	ssyncpa.u1 $0x0;
	s7 =	sshll.u32 s7, $0x6  }
0xe: {  	s5 =	sadd.s32 $0xE90600, s5;
	[sflag:s31] =	ssyncpa.u1 $0x0;
	s8 =	sor.u32 $0x1, s7  }
.LBB1_4:
0xf: {  	v5 =	vld [tilespmem:s19+$0xFFFFFFD0]  }
0x10: {  	[tilespmem:s20+$0x2040 ss:$0x81] =	vst.msk $0xffff, v1;
	v58 =	vld [tilespmem:s19+$0xFFFFFFE0]  }
0x11: {  	[tilespmem:s20+$0x2850 ss:$0x81] =	vst.msk $0xffff, v2;
	v59 =	vld [tilespmem:s19+$0xFFFFFFF0]  }
0x12: {  	s21 =	sshra.s32 s21, $0x2;
	[tilespmem:s20+$0x3060 ss:$0x81] =	vst.msk $0xffff, v3;
	v60 =	vld [tilespmem:s19+$0x0]  }
0x13: {  	[tilespmem:s20+$0x0 ss:$0x81] =	vst.msk $0xffff, v0;
	v61 =	vld [tilespmem:s19+$0x10];
	s18 =	sadd.s32 s21, s18  }
0x14: {  	s26 =	sshll.u32 s16, $0xC;
	v62 =	vld [tilespmem:s19+$0x20];
	[tilespmem:s18+$0x3870 ss:$0x81] =	vst.msk $0xffff, v4  }
0x15: {  	s27 =	sand.u32 $0x78, s14;
	s22 =	sshll.u32 s14, $0x3;
	v63 =	vld [tilespmem:s19+$0xFFFFFFC0];
	s29 =	sshll.u32 s16, $0x7;
	[tilespmem:s18+$0x810 ss:$0x81] =	vst.msk $0xffff, v5  }
0x16: {  	s15 =	sshll.u32 s15, $0x16;
	s20 =	sand.u32 $0x1FF8000, s26;
	s28 =	sand.u32 $0x1FFFC00, s22;
	[tilespmem:s18+$0x1020 ss:$0x81] =	vst.msk $0xffff, v58  }
0x17: {  	s31 =	sand.u32 $0x7, s14;
	s22 =	sand.u32 $0xC00, s22;
	s19 =	sadd.s32 s28, s20;
	[tilespmem:s18+$0x1830 ss:$0x81] =	vst.msk $0xffff, v59  }
0x18: {  	s16 =	sand.u32 $0x380, s29;
	s30 =	sor.u32 s27, s22;
	s19 =	sshrl.u32 s19, $0x3;
	[tilespmem:s18+$0x2040 ss:$0x81] =	vst.msk $0xffff, v60  }
0x19: {  	s15 =	sadd.s32 s5, s15;
	s16 =	sor.u32 s16, s30;
	s19 =	sand.u32 $0x3FFE00, s19;
	[tilespmem:s18+$0x2850 ss:$0x81] =	vst.msk $0xffff, v61  }
0x1a: {  	s14 =	sshll.u32 s31, $0x12;
	s16 =	sshrl.u32 s16, $0x3;
	[tilespmem:s18+$0x3060 ss:$0x81] =	vst.msk $0xffff, v62;
	s15 =	sadd.s32 s19, s15  }
0x1b: {  	s14 =	sor.u32 $0x400, s14;
	[tilespmem:s18+$0x0 ss:$0x81] =	vst.msk $0xffff, v63;
	s15 =	sadd.s32 s16, s15  }
0x1c: {  	[hbm4b:s15+s14] =	stream.strided.scatter [tilespmem:s17], [sflag:$0x2], $0x4000, s9, s14, $0x20;
	[tilespmem:$0x10100] =	vst v63  }
.LBB1_5:
0x1d: {  	s17 =	sadd.s32 $0x80, s10  }
0x1e: {  	s14 =	sadd.s32 $0x800, s11;
	s18 =	smov.u32 s11;
	p2 =	sgt.s32 s17, $0x1FFF  }
0x1f: {  	s18 =	smov.u32 @p2 s14  }
0x20: {  	s20 =	smov.u32 s12;
	s14 =	sadd.s32 $0x2, s12;
	p3 =	sgt.s32 s18, $0xFFF  }
0x21: {  	s20 =	smov.u32 @p3 s14  }
0x22: {  	s17 =	simm.s32 @p2 $0x0;
	p2 =	sgt.s32 s20, $0x1  }
0x23: {  	p1 =	slt.u32 s13, $0x2;
	s20 =	smov.u32 @p2 s2;
	p2 =	sne.s32 s13, s8  }
.Ltmp1:
0x24: {  	s19 =	simm.s32 @!p1 $0x2;
	(pc) =	sbr.rel @!p2 .LBB1_6-.Ltmp1, $4  }
0x25: {  	s16 =	smov.u32 s10;
	s15 =	smov.u32 s12;
	_ =	swait.ge @!p1 [sflag:s19], $0x4000  }
0x26: {  	p0 =	por !p0, !p0;
	[sflag:s19] =	ssyncset.done @!p1 $0x0;
	s10 =	smov.u32 s17  }
0x27: {  	s18 =	smov.u32 @p3 s1;
	s14 =	smov.u32 s11;
	[sflag:s19] =	ssyncadd.s32 @!p1 $0xFFFFC000  }
0x28: {  	s11 =	smov.u32 s18;
	s13 =	sadd.s32 $0x1, s13;
	s12 =	smov.u32 s20  }
.LBB1_1:
0x29: {  	p1 =	sge.u32 s13, s7;
	s31 =	sadd.s32 $0xFFFFFFFF, s13  }
0x2a: {  	s17 =	sxor.u32 @!p1 $0xFFFFFFFF, s13;
	s18 =	sand.u32 @!p1 $0x78, s10;
	s19 =	sshll.u32 @!p1 s11, $0xD  }
0x2b: {  	s20 =	sshll.u32 @!p1 s11, $0x7;
	s21 =	sshll.u32 @!p1 s10, $0x3;
	s17 =	sshll.u32 @!p1 s17, $0xE  }
0x2c: {  	s19 =	sand.u32 @!p1 $0x1FF0000, s19;
	s20 =	sand.u32 @!p1 $0x380, s20;
	s17 =	sand.u32 @!p1 $0x4000, s17  }
0x2d: {  	s19 =	sadd.s32 @!p1 s19, s21;
	s21 =	sand.u32 @!p1 $0x1C00, s21;
	s18 =	sor.u32 @!p1 s20, s18  }
0x2e: {  	s20 =	sshll.u32 @!p1 s12, $0x16;
	s18 =	sor.u32 @!p1 s21, s18;
	s19 =	sshrl.u32 @!p1 s19, $0x3  }
0x2f: {  	s20 =	sadd.s32 @!p1 s4, s20;
	s21 =	sand.u32 @!p1 $0x7, s10;
	s19 =	sand.u32 @!p1 $0x3FFC00, s19  }
0x30: {  	s18 =	sshrl.u32 @!p1 s18, $0x3;
	s19 =	sadd.s32 @!p1 s19, s20;
	s20 =	sshll.u32 @!p1 s21, $0x12  }
0x31: {  	s18 =	sadd.s32 @!p1 s18, s19;
	s19 =	sor.u32 @!p1 $0x400, s20;
	s20 =	simm.s32 @!p1 $0x10000  }
0x32: {  	[tilespmem:s17], [sflag:$0x1] =	stream.strided.gather @!p1 [hbm4b:s18+s19], $0x4000, s20, s19, $0x38;
	[tilespmem:$0x10100] =	vst v63  }
0x33: {  	p1 =	sge.u32 s31, s7  }
.Ltmp2:
0x34: {  	_ = 	snop;
	(pc) =	sbr.rel @p1 .LBB1_5-.Ltmp2, $1  }
0x35: {  	_ =	sdelay $0x3  }
0x36: {  	s17 =	simm.s32 $0x1  }
0x37: {  	_ =	swait.ge [sflag:s6], $0x4000;
	s17 =	simm.s32 @!p0 $0x0  }
0x38: {  	[sflag:s6] =	ssyncset.done $0x0;
	s18 =	sshll.u32 s17, $0xE  }
0x39: {  	[sflag:s6] =	ssyncadd.s32 $0xFFFFC000;
	s19 =	sor.u32 $0x40, s18  }
0x3a: {  	s17 =	smul.u32 $0x10200, s17;
	v0 =	vld [tilespmem:s19+$0x30]  }
0x3b: {  	v3 =	vld [tilespmem:s19+$0xFFFFFFD0]  }
0x3c: {  	s17 =	sshrl.u32 s17, $0x2;
	v4 =	vld [tilespmem:s19+$0xFFFFFFE0]  }
0x3d: {  	v5 =	vld [tilespmem:s19+$0xFFFFFFF0];
	s18 =	sor.u32 $0x8000, s17  }
0x3e: {  	s31 =	sand.u32 $0x1, s13;
	v1 =	vld [tilespmem:s19+$0x0];
	s20 =	sadd.s32 $0x0, s18  }
0x3f: {  	v2 =	vld [tilespmem:s19+$0x10];
	s17 =	smul.u32 $0x10200, s31;
	[tilespmem:s20+$0x3870 ss:$0x81] =	vst.msk $0xffff, v0  }
0x40: {  	[tilespmem:s20+$0x810 ss:$0x81] =	vst.msk $0xffff, v3;
	v3 =	vld [tilespmem:s19+$0x20]  }
0x41: {  	s17 =	sshrl.u32 s17, $0x2;
	v0 =	vld [tilespmem:s19+$0xFFFFFFC0];
	[tilespmem:s20+$0x1020 ss:$0x81] =	vst.msk $0xffff, v4;
	s19 =	sadd.s32 $0x80, s19  }
0x42: {  	s21 =	simm.s32 $0x4;
	s22 =	simm.s32 $0x8;
	s17 =	sor.u32 $0x8000, s17;
	[tilespmem:s20+$0x1830 ss:$0x81] =	vst.msk $0xffff, v5;
	v4 =	vld [tilespmem:s19+$0x30]  }
.LBB1_3:
0x43: {  	p1 =	sne.s32 s22, $0x1FC;
	v5 =	vld [tilespmem:s19+$0xFFFFFFD0];
	[tilespmem:s20+$0x2040 ss:$0x81] =	vst.msk $0xffff, v1  }
0x44: {  	v6 =	vld [tilespmem:s19+$0xFFFFFFE0];
	[tilespmem:s20+$0x2850 ss:$0x81] =	vst.msk $0xffff, v2  }
0x45: {  	s23 =	sshra.s32 s21, $0x2;
	s21 =	smov.u32 s22;
	v7 =	vld [tilespmem:s19+$0xFFFFFFF0];
	[tilespmem:s20+$0x3060 ss:$0x81] =	vst.msk $0xffff, v3  }
.Ltmp3:
0x46: {  	v1 =	vld [tilespmem:s19+$0x0];
	[tilespmem:s20+$0x0 ss:$0x81] =	vst.msk $0xffff, v0;
	s20 =	sadd.s32 s23, s18;
	(pc) =	sbr.rel @p1 .LBB1_3-.Ltmp3, $4  }
0x47: {  	v2 =	vld [tilespmem:s19+$0x10];
	[tilespmem:s20+$0x3870 ss:$0x81] =	vst.msk $0xffff, v4  }
0x48: {  	[tilespmem:s20+$0x810 ss:$0x81] =	vst.msk $0xffff, v5;
	v3 =	vld [tilespmem:s19+$0x20]  }
0x49: {  	v0 =	vld [tilespmem:s19+$0xFFFFFFC0];
	[tilespmem:s20+$0x1020 ss:$0x81] =	vst.msk $0xffff, v6;
	s19 =	sadd.s32 $0x80, s19  }
0x4a: {  	s22 =	sadd.s32 $0x4, s22;
	v4 =	vld [tilespmem:s19+$0x30];
	[tilespmem:s20+$0x1830 ss:$0x81] =	vst.msk $0xffff, v7  }
.Ltmp4:
0x4b: {  	_ = 	snop;
	(pc) =	sbr.rel .LBB1_4-.Ltmp4, $1  }
0x4c: {  	_ =	sdelay $0x3  }
.LBB1_6:
0x4d: {  	_ =	sfence.sel $0x180000  }
0x4e: {  	s1 =	simm.s32 $0x1;
	[bflag:$0x0] =	sbarrier.arrive $0xFFFF  }
0x4f: {  	s31 =	simm.s32 $0x2;
	[sflag:s1] =	ssyncpa.u1 $0x1  }
0x50: {  	[sflag:s31] =	ssyncpa.u1 $0x1  }
0x51: {  	p0 =	sne.s32 s0, $0x0;
	_ =	strace $0x90000050  }
0x52: {  	s0 =	sadd.s32 @!p0 $0x100000, s3;
	[bflag:$0x2] =	sbarrier.arrive $0xFFFF  }
0x53: {  	[sflag:s0] =	ssyncadd.tile.s32 @!p0 $0x1;
	_ =	shalt  }
.Lfunc_end1:
_tile_overlayer_lowered:
.L_overlay_start_2:
0x54: {  	(tag) =	ssettag $0x2  }
0x55: {  	s0 =	rddreg [dreg:$0x0];
	s2 =	stileid.u32  }
0x56: {  	s1 =	rddreg [dreg:$0x1];
	p0 =	sne.s32 s2, $0x0  }
0x57: {  	s3 =	rddreg [dreg:$0x2];
	[bflag:$0x3] =	sbarrier.arrive $0xFFFF;
	s2 =	simm.s32 @!p0 $0x1C01  }
0x58: {  	[timem:s3], [sflag:s2] =	dma.local @!p0 [hbm:s0], s1  }
0x59: {  	s0 =	simm.s32 @!p0 $0x1  }
0x5a: {  	_ =	swait.ge @!p0 [sflag:s0], s1  }
0x5b: {  	s1 =	ssub.s32 @!p0 $0x0, s1;
	[sflag:s0] =	ssyncset.done @!p0 $0x0  }
0x5c: {  	[sflag:s0] =	ssyncadd.s32 @!p0 s1  }
0x5d: {  	[bflag:$0x3] =	sbarrier.arrive $0xFFFF  }
0x5e: {  	_ =	shalt  }

// kernel: sparse-core-data-format-call.cloned.1.call-start
scs
called_computation_lowered:
.L_overlay_start_0:
0x0: {  	s2 =	sld [smem:$0x3FD9]  }
0x1: {  	s3 =	sld [smem:$0x3FFE];
	_ =	sdelay $0x1  }
0x2: {  	s1 =	srdreg.scid  }
0x3: {  	s0 =	sand.u32 $0x1, s1  }
0x4: {  	s18 =	sshll.u32 s0, $0xA;
	s2 =	sadd.s32 s3, s2  }
0x5: {  	s2 =	sadd.s32 s2, s18  }
0x6: {  	[smem:$0x3F6E] =	sst s2  }
0x7: {  	_ = 	snop  }
0x8: {  	(tm) =	ssettm $0x1  }
0x9: {  	s19 =	sld [smem:$0x3FFB];
	_ =	sdelay $0x3  }
0xa: {  	_ =	strace s19  }
0xb: {  	s2 =	sld [smem:$0x3FFC];
	_ =	sdelay $0x3  }
0xc: {  	_ =	strace s2  }
0xd: {  	s2 =	sld [smem:$0x3FFD];
	_ =	sdelay $0x3  }
0xe: {  	_ =	strace s2  }
0xf: {  	_ =	strace $0x8FFFFFFF  }
0x10: {  	s20 =	sld [smem:$0x3FDB];
	_ =	sdelay $0x1  }
0x11: {  	s21 =	simm.s32 $_scs_section_size  }
0x12: {  	s4 =	simm.s32 $_size__tile_overlayer_lowered;
	s5 =	simm.s32 $_tile_overlayer_lowered  }
0x13: {  	s6 =	simm.s32 $0x1BFF;
	s22 =	sshll.u32 s5, $0x1;
	s3 =	sadd.s32 s21, s20  }
0x14: {  	s23 =	simm.s32 $0x0;
	s4 =	sshll.u32 s4, $0x1;
	s5 =	sadd.s32 s22, s3  }
0x15: {  	[timem:s23], [sflag:s6] =	dma.local [hbm:s5], s4  }
0x16: {  	_ =	swait.ge [sflag:s6], s4  }
0x17: {  	s4 =	ssub.s32 $0x0, s4;
	[sflag:s6] =	ssyncset.done $0x0  }
0x18: {  	[sflag:s6] =	ssyncadd.s32 s4;
	_ =	sdelay $0x1  }
0x19: {  	s24 =	simm.s32 $0x1B8B  }
0x1a: {  	_ =	swait.ge [sflag:s24], $0x1  }
0x1b: {  	[sflag:s24] =	ssyncset.done $0x0  }
0x1c: {  	[sflag:s24] =	ssyncadd.s32 $0xFFFFFFFF  }
0x1d: {  	s4 =	sld [smem:$0x0]  }
0x1e: {  	s5 =	sand.u32 $0xFFFFFFFE, s1  }
0x1f: {  	p0 =	sne.s32 s1, s5  }
0x20: {  	s5 =	sshll.u32 @p0 s5, $0xE  }
0x21: {  	s5 =	sadd.s32 @p0 $0x11B8D, s5;
	s6 =	sshll.u32 @p0 s4, $0x11  }
0x22: {  	s5 =	sor.u32 @p0 s6, s5  }
0x23: {  	[sflag:s5] =	ssyncadd.remote.s32 @p0 $0x1;
	_ =	sdelay $0x1  }
0x24: {  	s5 =	simm.s32 @p0 $0x1B8D  }
0x25: {  	_ =	swait.eq @p0 [sflag:s5], $0x1  }
0x26: {  	[sflag:s5] =	ssyncadd.s32 @p0 $0xFFFFFFFF  }
0x27: {  	s6 =	sshll.u32 @!p0 s1, $0xE  }
0x28: {  	s6 =	sor.u32 @!p0 $0x4000, s6;
	s5 =	simm.s32 @!p0 $0x1B8D  }
0x29: {  	s4 =	sshll.u32 @!p0 s4, $0x11;
	s6 =	sadd.s32 @!p0 $0x11B8D, s6;
	_ =	swait.eq @!p0 [sflag:s5], $0x1  }
0x2a: {  	s4 =	sor.u32 @!p0 s4, s6;
	[sflag:s5] =	ssyncadd.s32 @!p0 $0xFFFFFFFF  }
0x2b: {  	s26 =	simm.s32 $0x1B8E;
	s25 =	sld [smem:$0x3FFE];
	[sflag:s4] =	ssyncadd.remote.s32 @!p0 $0x1  }
0x2c: {  	s27 =	simm.s32 $execute0_lowered;
	[smem:$0x3FD2] =	sst s26  }
0x2d: {  	s5 =	sshll.u32 s27, $0x1;
	_ =	strace $0x8000004C;
	[dreg:$0x1] =	wrdreg $0xFFFFFFFF  }
0x2e: {  	s28 =	simm.s32 $_size_execute0_lowered;
	s3 =	sadd.s32 s3, s5;
	[dreg:$0x0] =	wrdreg $0x0  }
0x2f: {  	s5 =	sshll.u32 s28, $0x1;
	[dreg:$0x2] =	wrdreg s3  }
0x30: {  	[dreg:$0x3] =	wrdreg s5  }
0x31: {  	[dreg:$0x4] =	wrdreg $0xC0  }
0x32: {  	_ =	task [dreg:s23], $0x5FFFF  }
0x33: {  	[dreg:$0x1] =	wrdreg $0xFFFFFFFF  }
0x34: {  	[dreg:$0x0] =	wrdreg $0x60  }
0x35: {  	[dreg:$0x2] =	wrdreg s25  }
0x36: {  	[dreg:$0x3] =	wrdreg $0x9  }
0x37: {  	_ =	task.clear_ibuf [dreg:s23], $0x4FFFF;
	_ =	strace $0x9000004C  }
0x38: {  	s29 =	simm.s32 $0x9;
	_ =	strace $0x8000004E  }
0x39: {  	_ =	swait.ge [sflag:s29], $0x1  }
0x3a: {  	[sflag:s29] =	ssyncadd.s32 $0xFFFFFFFF  }
0x3b: {  	_ =	strace $0x9000004E  }
0x3c: {  	_ =	sfence  }
0x3d: {  	s30 =	sld [smem:$0x0];
	_ =	sdelay $0x2  }
0x3e: {  	s31 =	sshll.u32 s1, $0xD;
	s1 =	sshrl.u32 s1, $0x2  }
0x3f: {  	s4 =	sand.u32 $0x4000, s31;
	s1 =	sadd.s32 s1, s30  }
0x40: {  	s0 =	sor.u32 s4, s0;
	s1 =	sshll.u32 s1, $0x11  }
0x41: {  	s0 =	sor.u32 s1, s0  }
0x42: {  	s0 =	sadd.s32 $0x8F2B, s0  }
0x43: {  	[sflag:s0] =	ssyncadd.remote.s32 $0x1  }
0x44: {  	_ =	sfence.sel $0xFFFF  }
0x45: {  	[dreg:$0x0] =	wrdreg $0xFFFFFFFF;
	(pc) =	sbr.abs _section_cstart, $3  }
0x46: {  	[dreg:$0x1] =	wrdreg $0xFFFFFFFF  }
0x47: {  	_ =	task.clear_ibuf [dreg:s23], $0x2FFFF;
	_ =	strace $0x9FFFFFFF  }
0x48: {  	(tm) =	ssettm $0x7FFFFFFF  }
0x49: {  	_ =	shalt  }
tec
execute0_lowered:
.L_overlay_start_1:
0x0: {  	(tag) =	ssettag $0x1  }
0x1: {  	s0 =	stileid.u32  }
0x2: {  	s8 =	rddreg [dreg:$0x0];
	s3 =	srdreg.scid  }
0x3: {  	s31 =	simm.s32 $0x2;
	s17 =	simm.s32 $0x0;
	s10 =	simm.s32 $0x2000  }
0x4: {  	s15 =	simm.s32 $0x0;
	s16 =	simm.s32 $0x0;
	s2 =	sshll.u32 s0, $0x6  }
0x5: {  	s14 =	simm.s32 $0x0;
	s1 =	sand.u32 $0x1, s0;
	s2 =	sand.u32 $0x380, s2  }
0x6: {  	s3 =	sshll.u32 s3, $0x7;
	s4 =	ssub.s32 $0x2, s1;
	s5 =	ssub.s32 $0x400, s2  }
0x7: {  	s3 =	sand.u32 $0x80, s3;
	s13 =	smov.u32 s1;
	s7 =	sand.u32 $0x380, s5  }
0x8: {  	s6 =	sshrl.u32 s4, $0x1;
	p0 =	sne.s32 s7, $0x0;
	s7 =	simm.s32 $0x1  }
0x9: {  	s4 =	sand.u32 $0x1, s4;
	s5 =	sshrl.u32 s5, $0xA;
	s7 =	simm.s32 @!p0 $0x0  }
0xa: {  	s9 =	ssub.s32 $0x1000, s3;
	s4 =	sadd.s32 s4, s6;
	s5 =	sadd.s32 s7, s5  }
0xb: {  	s11 =	smov.u32 s3;
	s28 =	sshrl.u32 s9, $0x7;
	s30 =	smul.u32 s4, s5  }
.Ltmp0:
0xc: {  	s29 =	sshrl.u32 s9, $0x8;
	s6 =	sand.u32 $0x1, s28;
	(pc) =	sbr.rel .LBB1_1-.Ltmp0, $4  }
0xd: {  	s12 =	smov.u32 s2;
	s6 =	sadd.s32 s29, s6;
	s4 =	rddreg [dreg:$0x1]  }
0xe: {  	_ =	strace $0x8000004D;
	s5 =	simm.s32 $0x1;
	s6 =	smul.u32 s6, s30  }
0xf: {  	p0 =	por $0x0, $0x0;
	s7 =	sadd.s32 $0x450600, s8;
	[sflag:s5] =	ssyncpa.u1 $0x0  }
0x10: {  	s8 =	sadd.s32 $0x550600, s8;
	[sflag:s31] =	ssyncpa.u1 $0x0;
	s9 =	sadd.s32 $0x1, s6  }
.LBB1_4:
0x11: {  	v5 =	vld [tilespmem:s21+$0xFFFFFFD0];
	[tilespmem:s20+$0x2040 ss:$0x81] =	vst.msk $0xffff, v1  }
0x12: {  	v58 =	vld [tilespmem:s21+$0xFFFFFFE0];
	[tilespmem:s20+$0x2850 ss:$0x81] =	vst.msk $0xffff, v2  }
0x13: {  	s22 =	sshra.s32 s22, $0x2;
	v59 =	vld [tilespmem:s21+$0xFFFFFFF0];
	[tilespmem:s20+$0x3060 ss:$0x81] =	vst.msk $0xffff, v3  }
0x14: {  	v60 =	vld [tilespmem:s21+$0x0];
	[tilespmem:s20+$0x0 ss:$0x81] =	vst.msk $0xffff, v0;
	s19 =	sadd.s32 s22, s19  }
0x15: {  	v61 =	vld [tilespmem:s21+$0x10];
	[tilespmem:s19+$0x3870 ss:$0x81] =	vst.msk $0xffff, v4  }
0x16: {  	v62 =	vld [tilespmem:s21+$0x20];
	s26 =	sshll.u32 s17, $0xA;
	s27 =	sshll.u32 s15, $0x3;
	[tilespmem:s19+$0x810 ss:$0x81] =	vst.msk $0xffff, v5  }
0x17: {  	v63 =	vld [tilespmem:s21+$0xFFFFFFC0];
	s29 =	sshll.u32 s17, $0x7;
	s30 =	sand.u32 $0x78, s15;
	s16 =	sshll.u32 s16, $0x13;
	[tilespmem:s19+$0x1020 ss:$0x81] =	vst.msk $0xffff, v58  }
0x18: {  	s20 =	sand.u32 $0x3FE000, s26;
	s28 =	sand.u32 $0x3FFC00, s27;
	s17 =	sand.u32 $0x380, s29;
	[tilespmem:s19+$0x1830 ss:$0x81] =	vst.msk $0xffff, v59  }
0x19: {  	s31 =	sand.u32 $0x7, s15;
	s20 =	sadd.s32 s28, s20;
	s17 =	sor.u32 s30, s17;
	[tilespmem:s19+$0x2040 ss:$0x81] =	vst.msk $0xffff, v60  }
0x1a: {  	s16 =	sadd.s32 s8, s16;
	s20 =	sshrl.u32 s20, $0x3;
	s17 =	sshrl.u32 s17, $0x3;
	[tilespmem:s19+$0x2850 ss:$0x81] =	vst.msk $0xffff, v61  }
0x1b: {  	s15 =	sshll.u32 s31, $0x12;
	s20 =	sand.u32 $0x7FF80, s20;
	s16 =	sadd.s32 s17, s16;
	[tilespmem:s19+$0x3060 ss:$0x81] =	vst.msk $0xffff, v62  }
0x1c: {  	s15 =	sor.u32 $0x400, s15;
	[tilespmem:s19+$0x0 ss:$0x81] =	vst.msk $0xffff, v63;
	s16 =	sadd.s32 s20, s16  }
0x1d: {  	[hbm4b:s16+s15] =	stream.strided.scatter [tilespmem:s18], [sflag:$0x2], $0x4000, s10, s15, $0x20;
	[tilespmem:$0x10100] =	vst v63  }
.LBB1_5:
0x1e: {  	s18 =	sadd.s32 $0x100, s11  }
0x1f: {  	s15 =	sadd.s32 $0x400, s12;
	s19 =	smov.u32 s12;
	p2 =	sgt.s32 s18, $0xFFF  }
0x20: {  	s19 =	smov.u32 @p2 s15  }
0x21: {  	s21 =	smov.u32 s13;
	s15 =	sadd.s32 $0x2, s13;
	p3 =	sgt.s32 s19, $0x3FF  }
0x22: {  	s21 =	smov.u32 @p3 s15  }
0x23: {  	s18 =	smov.u32 @p2 s3;
	p2 =	sgt.s32 s21, $0x1  }
0x24: {  	p1 =	slt.u32 s14, $0x2;
	s21 =	smov.u32 @p2 s1;
	p2 =	sne.s32 s14, s9  }
.Ltmp1:
0x25: {  	s20 =	simm.s32 @!p1 $0x2;
	(pc) =	sbr.rel @!p2 .LBB1_6-.Ltmp1, $4  }
0x26: {  	s17 =	smov.u32 s11;
	s16 =	smov.u32 s13;
	_ =	swait.ge @!p1 [sflag:s20], $0x4000  }
0x27: {  	p0 =	por !p0, !p0;
	[sflag:s20] =	ssyncset.done @!p1 $0x0;
	s11 =	smov.u32 s18  }
0x28: {  	s19 =	smov.u32 @p3 s2;
	s15 =	smov.u32 s12;
	[sflag:s20] =	ssyncadd.s32 @!p1 $0xFFFFC000  }
0x29: {  	s12 =	smov.u32 s19;
	s14 =	sadd.s32 $0x1, s14;
	s13 =	smov.u32 s21  }
.LBB1_1:
0x2a: {  	p1 =	sge.u32 s14, s6;
	s31 =	sadd.s32 $0xFFFFFFFF, s14  }
0x2b: {  	s18 =	sxor.u32 @!p1 $0xFFFFFFFF, s14;
	s19 =	sand.u32 @!p1 $0x78, s11;
	s20 =	sshll.u32 @!p1 s12, $0xC  }
0x2c: {  	s21 =	sshll.u32 @!p1 s12, $0x7;
	s22 =	sshll.u32 @!p1 s11, $0x3;
	s18 =	sshll.u32 @!p1 s18, $0xE  }
0x2d: {  	s20 =	sand.u32 @!p1 $0x3F8000, s20;
	s21 =	sand.u32 @!p1 $0x380, s21;
	s18 =	sand.u32 @!p1 $0x4000, s18  }
0x2e: {  	s20 =	sadd.s32 @!p1 s20, s22;
	s22 =	sand.u32 @!p1 $0xC00, s22;
	s19 =	sor.u32 @!p1 s21, s19  }
0x2f: {  	s21 =	sshll.u32 @!p1 s13, $0x13;
	s19 =	sor.u32 @!p1 s22, s19;
	s20 =	sshrl.u32 @!p1 s20, $0x3  }
0x30: {  	s21 =	sadd.s32 @!p1 s7, s21;
	s22 =	sand.u32 @!p1 $0x7, s11;
	s20 =	sand.u32 @!p1 $0x7FE00, s20  }
0x31: {  	s19 =	sshrl.u32 @!p1 s19, $0x3;
	s20 =	sadd.s32 @!p1 s20, s21;
	s21 =	sshll.u32 @!p1 s22, $0x12  }
0x32: {  	s19 =	sadd.s32 @!p1 s19, s20;
	s20 =	sor.u32 @!p1 $0x400, s21;
	s21 =	simm.s32 @!p1 $0x8000  }
0x33: {  	[tilespmem:s18], [sflag:$0x1] =	stream.strided.gather @!p1 [hbm4b:s19+s20], $0x4000, s21, s20, $0x38;
	[tilespmem:$0x10100] =	vst v63  }
0x34: {  	p1 =	sge.u32 s31, s6  }
.Ltmp2:
0x35: {  	_ = 	snop;
	(pc) =	sbr.rel @p1 .LBB1_5-.Ltmp2, $1  }
0x36: {  	_ =	sdelay $0x3  }
0x37: {  	s18 =	simm.s32 $0x1  }
0x38: {  	_ =	swait.ge [sflag:s5], $0x4000;
	s18 =	simm.s32 @!p0 $0x0  }
0x39: {  	[sflag:s5] =	ssyncset.done $0x0;
	s19 =	sshll.u32 s18, $0xE  }
0x3a: {  	[sflag:s5] =	ssyncadd.s32 $0xFFFFC000;
	s21 =	sor.u32 $0x40, s19  }
0x3b: {  	s18 =	smul.u32 $0x10200, s18;
	v0 =	vld [tilespmem:s21+$0x30]  }
0x3c: {  	v3 =	vld [tilespmem:s21+$0xFFFFFFD0]  }
0x3d: {  	s18 =	sshrl.u32 s18, $0x2;
	v4 =	vld [tilespmem:s21+$0xFFFFFFE0]  }
0x3e: {  	v5 =	vld [tilespmem:s21+$0xFFFFFFF0];
	s19 =	sor.u32 $0x8000, s18  }
0x3f: {  	s31 =	sand.u32 $0x1, s14;
	v1 =	vld [tilespmem:s21+$0x0];
	s20 =	sadd.s32 $0x0, s19  }
0x40: {  	v2 =	vld [tilespmem:s21+$0x10];
	s18 =	smul.u32 $0x10200, s31;
	[tilespmem:s20+$0x3870 ss:$0x81] =	vst.msk $0xffff, v0  }
0x41: {  	[tilespmem:s20+$0x810 ss:$0x81] =	vst.msk $0xffff, v3;
	v3 =	vld [tilespmem:s21+$0x20]  }
0x42: {  	s18 =	sshrl.u32 s18, $0x2;
	v0 =	vld [tilespmem:s21+$0xFFFFFFC0];
	[tilespmem:s20+$0x1020 ss:$0x81] =	vst.msk $0xffff, v4;
	s21 =	sadd.s32 $0x80, s21  }
0x43: {  	s22 =	simm.s32 $0x4;
	s23 =	simm.s32 $0x8;
	s18 =	sor.u32 $0x8000, s18;
	[tilespmem:s20+$0x1830 ss:$0x81] =	vst.msk $0xffff, v5;
	v4 =	vld [tilespmem:s21+$0x30]  }
.LBB1_3:
0x44: {  	p1 =	sne.s32 s23, $0x1FC;
	v5 =	vld [tilespmem:s21+$0xFFFFFFD0];
	[tilespmem:s20+$0x2040 ss:$0x81] =	vst.msk $0xffff, v1  }
0x45: {  	v6 =	vld [tilespmem:s21+$0xFFFFFFE0];
	[tilespmem:s20+$0x2850 ss:$0x81] =	vst.msk $0xffff, v2  }
0x46: {  	s24 =	sshra.s32 s22, $0x2;
	s22 =	smov.u32 s23;
	v7 =	vld [tilespmem:s21+$0xFFFFFFF0];
	[tilespmem:s20+$0x3060 ss:$0x81] =	vst.msk $0xffff, v3  }
.Ltmp3:
0x47: {  	v1 =	vld [tilespmem:s21+$0x0];
	[tilespmem:s20+$0x0 ss:$0x81] =	vst.msk $0xffff, v0;
	s20 =	sadd.s32 s24, s19;
	(pc) =	sbr.rel @p1 .LBB1_3-.Ltmp3, $4  }
0x48: {  	v2 =	vld [tilespmem:s21+$0x10];
	[tilespmem:s20+$0x3870 ss:$0x81] =	vst.msk $0xffff, v4  }
0x49: {  	[tilespmem:s20+$0x810 ss:$0x81] =	vst.msk $0xffff, v5;
	v3 =	vld [tilespmem:s21+$0x20]  }
0x4a: {  	v0 =	vld [tilespmem:s21+$0xFFFFFFC0];
	[tilespmem:s20+$0x1020 ss:$0x81] =	vst.msk $0xffff, v6;
	s21 =	sadd.s32 $0x80, s21  }
0x4b: {  	s23 =	sadd.s32 $0x4, s23;
	v4 =	vld [tilespmem:s21+$0x30];
	[tilespmem:s20+$0x1830 ss:$0x81] =	vst.msk $0xffff, v7  }
.Ltmp4:
0x4c: {  	_ = 	snop;
	(pc) =	sbr.rel .LBB1_4-.Ltmp4, $1  }
0x4d: {  	_ =	sdelay $0x3  }
.LBB1_6:
0x4e: {  	_ =	sfence.sel $0x180000  }
0x4f: {  	s1 =	simm.s32 $0x1;
	[bflag:$0x0] =	sbarrier.arrive $0xFFFF  }
0x50: {  	s31 =	simm.s32 $0x2;
	[sflag:s1] =	ssyncpa.u1 $0x1  }
0x51: {  	[sflag:s31] =	ssyncpa.u1 $0x1  }
0x52: {  	p0 =	sne.s32 s0, $0x0;
	_ =	strace $0x9000004D  }
0x53: {  	s0 =	sadd.s32 @!p0 $0x100000, s4;
	[bflag:$0x2] =	sbarrier.arrive $0xFFFF  }
0x54: {  	[sflag:s0] =	ssyncadd.tile.s32 @!p0 $0x1;
	_ =	shalt  }
.Lfunc_end1:
_tile_overlayer_lowered:
.L_overlay_start_2:
0x55: {  	(tag) =	ssettag $0x2  }
0x56: {  	s0 =	rddreg [dreg:$0x0];
	s2 =	stileid.u32  }
0x57: {  	s1 =	rddreg [dreg:$0x1];
	p0 =	sne.s32 s2, $0x0  }
0x58: {  	s3 =	rddreg [dreg:$0x2];
	[bflag:$0x3] =	sbarrier.arrive $0xFFFF;
	s2 =	simm.s32 @!p0 $0x1C01  }
0x59: {  	[timem:s3], [sflag:s2] =	dma.local @!p0 [hbm:s0], s1  }
0x5a: {  	s0 =	simm.s32 @!p0 $0x1  }
0x5b: {  	_ =	swait.ge @!p0 [sflag:s0], s1  }
0x5c: {  	s1 =	ssub.s32 @!p0 $0x0, s1;
	[sflag:s0] =	ssyncset.done @!p0 $0x0  }
0x5d: {  	[sflag:s0] =	ssyncadd.s32 @!p0 s1  }
0x5e: {  	[bflag:$0x3] =	sbarrier.arrive $0xFFFF  }
0x5f: {  	_ =	shalt  }

</sc_bundles>
